<compile_context>
chip_gen: v7x
topology: tpu7x:2x2x1
jax: 0.10.2.dev20260603
libtpu: 0.0.44.dev20260713+nightly
codegen_flags: <defaults>
</compile_context>

<pallas_src>
import functools

import jax
import jax.numpy as jnp
from jax import lax
from jax.experimental import pallas as pl
from jax.experimental.pallas import tpu as pltpu
from jax.experimental.pallas import tpu_sc as plsc

NC = 2
NS = 16
L = 16
CH = 128
D = 128


def _pad_to(n, m):
    return -(-n // m) * m


@functools.lru_cache(maxsize=None)
def _build_deg_kernel(nchunk, n_pad):
    cpt = nchunk // (NC * NS)
    mesh = plsc.VectorSubcoreMesh(core_axis_name="c", subcore_axis_name="s",
                                  num_cores=NC, num_subcores=NS)

    @functools.partial(
        pl.kernel,
        out_type=jax.ShapeDtypeStruct((NC * NS, n_pad), jnp.float32),
        mesh=mesh,
        scratch_types=[
            pltpu.VMEM((cpt, CH), jnp.int32),
            pltpu.VMEM((n_pad,), jnp.float32),
        ],
        compiler_params=pltpu.CompilerParams(needs_layout_passes=False),
    )
    def deg_kernel(dst_hbm, out_hbm, idx_v, hist_v):
        c = lax.axis_index("c")
        s = lax.axis_index("s")
        wid = s * NC + c
        pltpu.sync_copy(dst_hbm.at[pl.ds(wid * cpt, cpt)], idx_v)
        zero = jnp.zeros((L,), jnp.float32)

        @pl.loop(0, n_pad // L)
        def _(j):
            hist_v[pl.ds(j * L, L)] = zero

        ones = jnp.ones((L,), jnp.float32)

        @pl.loop(0, cpt)
        def _(r):
            for k in range(CH // L):
                idx = idx_v[r, pl.ds(k * L, L)]
                plsc.addupdate_scatter(hist_v, [idx], ones)

        pltpu.sync_copy(hist_v, out_hbm.at[wid])

    return deg_kernel


@functools.lru_cache(maxsize=None)
def _build_acc_kernel(nchunk, n_pad):
    cpt = nchunk // NS
    rpt = n_pad // NS
    mesh = plsc.VectorSubcoreMesh(core_axis_name="c", subcore_axis_name="s",
                                  num_cores=NC, num_subcores=NS)

    nbi = 4

    @functools.partial(
        pl.kernel,
        out_type=jax.ShapeDtypeStruct((NC, n_pad, D), jnp.float32),
        mesh=mesh,
        scratch_types=[
            pltpu.VMEM((nbi, 2, CH), jnp.int32),
            pltpu.VMEM((2, CH, D), jnp.float32),
            pltpu.VMEM_SHARED((n_pad, D), jnp.float32),
        ] + [pltpu.SemaphoreType.DMA] * (2 + nbi),
        compiler_params=pltpu.CompilerParams(use_tc_tiling_on_sc=False),
    )
    def acc_kernel(g_hbm, idx_hbm, out_hbm, idx_v, rows_v, acc_sh, *sems):
        c = lax.axis_index("c")
        s = lax.axis_index("s")
        gbase = s * cpt
        semr = sems[:2]
        semi = sems[2:]

        @pl.loop(0, rpt // CH)
        def _(i):
            base = s * rpt + i * CH
            pltpu.sync_copy(g_hbm.at[pl.ds(c * n_pad + base, CH)],
                            rows_v.at[0])
            pltpu.sync_copy(rows_v.at[0], acc_sh.at[pl.ds(base, CH)])

        plsc.subcore_barrier()

        for k in range(3):
            pltpu.async_copy(idx_hbm.at[c, gbase + k], idx_v.at[k], semi[k])
        pltpu.make_async_copy(idx_hbm.at[c, 0], idx_v.at[0], semi[0]).wait()
        pltpu.async_copy(g_hbm.at[idx_v.at[0, 0]], rows_v.at[0], semr[0])

        @pl.loop(0, cpt, step=nbi)
        def _(j0):
            for i in range(nbi):
                j = j0 + i
                b = i % 2
                bn = 1 - b

                @pl.when(j >= 1)
                def _():
                    pltpu.make_async_copy(g_hbm.at[pl.ds(0, CH)],
                                          rows_v.at[bn], semr[bn]).wait()

                @pl.when(j + 1 < cpt)
                def _():
                    pltpu.make_async_copy(idx_hbm.at[c, 0],
                                          idx_v.at[(i + 1) % nbi],
                                          semi[(i + 1) % nbi]).wait()
                    pltpu.async_copy(g_hbm.at[idx_v.at[(i + 1) % nbi, 0]],
                                     rows_v.at[bn], semr[bn])

                @pl.when(j + 3 < cpt)
                def _():
                    pltpu.async_copy(idx_hbm.at[c, gbase + j + 3],
                                     idx_v.at[(i + 3) % nbi],
                                     semi[(i + 3) % nbi])

                pltpu.make_async_copy(g_hbm.at[pl.ds(0, CH)], rows_v.at[b],
                                      semr[b]).wait()
                pltpu.async_copy(rows_v.at[b], acc_sh.at[idx_v.at[i, 1]],
                                 semr[b], add=True)

        pltpu.make_async_copy(g_hbm.at[pl.ds(0, CH)],
                              rows_v.at[(cpt - 1) % 2],
                              semr[(cpt - 1) % 2]).wait()

        plsc.subcore_barrier()

        @pl.loop(0, rpt // CH)
        def _(i):
            base = s * rpt + i * CH
            pltpu.sync_copy(acc_sh.at[pl.ds(base, CH)], rows_v.at[0])
            pltpu.sync_copy(rows_v.at[0], out_hbm.at[c, pl.ds(base, CH)])

    return acc_kernel


def _mm_body(x_ref, w_ref, deg_ref, o_ref, ds_ref):
    h = jnp.dot(x_ref[...], w_ref[...], preferred_element_type=jnp.float32)
    deg = jnp.sum(deg_ref[...], axis=0)[:, None] + 1.0
    ds_ref[...] = deg
    dis = lax.rsqrt(deg)
    g = h * dis
    o_ref[0] = g[:, :D]
    o_ref[1] = g[:, D:]


def _fin_body(amu_ref, alv_ref, deg_ref, eps_ref, z_ref, mu_ref, lv_ref):
    dis = lax.rsqrt(deg_ref[...])
    mu = amu_ref[0] * dis
    lv = alv_ref[0] * dis
    mu_ref[...] = mu
    lv_ref[...] = lv
    z_ref[...] = mu + jnp.exp(0.5 * lv) * eps_ref[...]


def kernel(x, edge_index, W_mu, W_log_var):
    N, DIN = x.shape
    E = edge_index.shape[1]
    n_pad = _pad_to(N, NS * CH)
    if n_pad < N + 1:
        n_pad += NS * CH
    e_pad = _pad_to(E, NC * NS * CH * 8)
    nchunk = e_pad // CH

    src = edge_index[0].astype(jnp.int32)
    dst = edge_index[1].astype(jnp.int32)
    pad = e_pad - E
    src_p = jnp.concatenate([src, jnp.zeros((pad,), jnp.int32)]).reshape(nchunk, CH)
    dst_p = jnp.concatenate([dst, jnp.full((pad,), N, jnp.int32)]).reshape(nchunk, CH)
    offs = jnp.arange(NC, dtype=jnp.int32) * n_pad
    src2 = src_p[None] + offs[:, None, None]
    idx_cat = jnp.stack(
        [src2, jnp.broadcast_to(dst_p[None], src2.shape)], axis=2)

    deg_t = _build_deg_kernel(nchunk, n_pad)(dst_p)

    xp = jnp.pad(x.astype(jnp.float32), ((0, n_pad - N), (0, 0)))
    w_cat = jnp.concatenate([W_mu, W_log_var], axis=1)

    bm = 512
    g = pl.pallas_call(
        _mm_body,
        grid=(n_pad // bm,),
        in_specs=[
            pl.BlockSpec((bm, DIN), lambda i: (i, 0)),
            pl.BlockSpec((DIN, 2 * D), lambda i: (0, 0)),
            pl.BlockSpec((NC * NS, bm), lambda i: (0, i)),
        ],
        out_specs=[
            pl.BlockSpec((NC, bm, D), lambda i: (0, i, 0)),
            pl.BlockSpec((bm, 1), lambda i: (i, 0)),
        ],
        out_shape=[
            jax.ShapeDtypeStruct((NC, n_pad, D), jnp.float32),
            jax.ShapeDtypeStruct((n_pad, 1), jnp.float32),
        ],
    )(xp, w_cat, deg_t)
    g, degsum = g
    g_flat = g.reshape(NC * n_pad, D)

    acc = _build_acc_kernel(nchunk, n_pad)(g_flat, idx_cat)

    eps = jax.random.normal(jax.random.key(1), (N, D), jnp.float32)

    bf = 400
    z, mu, lv = pl.pallas_call(
        _fin_body,
        grid=(N // bf,),
        in_specs=[
            pl.BlockSpec((1, bf, D), lambda i: (0, i, 0)),
            pl.BlockSpec((1, bf, D), lambda i: (1, i, 0)),
            pl.BlockSpec((bf, 1), lambda i: (i, 0)),
            pl.BlockSpec((bf, D), lambda i: (i, 0)),
        ],
        out_specs=[
            pl.BlockSpec((bf, D), lambda i: (i, 0)),
            pl.BlockSpec((bf, D), lambda i: (i, 0)),
            pl.BlockSpec((bf, D), lambda i: (i, 0)),
        ],
        out_shape=[
            jax.ShapeDtypeStruct((N, D), jnp.float32),
            jax.ShapeDtypeStruct((N, D), jnp.float32),
            jax.ShapeDtypeStruct((N, D), jnp.float32),
        ],
    )(acc, acc, degsum, eps)
    return (z, mu, lv)

# --- scband reference (transcript-rebuilt; emitter-appended) ---
"""Pipeline reference for scband-gaussian-sample-20272245637273 (READ-ONLY COPY).

The authoritative reference and input builder live on the scoring server;
editing this copy changes nothing except your own understanding.
"""

import jax, jax.numpy as jnp
import numpy as np

N_NODES = 10000
N_EDGES = 320000
D_IN = 128
D_OUT = 128


def setup_inputs(seed: int = 0) -> dict:
    key = jax.random.key(seed)
    k1, k2, k3, k4 = jax.random.split(key, 4)
    x = jax.random.normal(k1, (N_NODES, D_IN), dtype=jnp.float32)
    edge_index = jax.random.randint(k2, (2, N_EDGES), 0, N_NODES, dtype=jnp.int64)
    # GCNConv linear weights (glorot-like init), no bias (bias=False)
    scale = 1.0 / np.sqrt(D_IN)
    W_mu = jax.random.uniform(k3, (D_IN, D_OUT), dtype=jnp.float32, minval=-scale, maxval=scale)
    W_log_var = jax.random.uniform(k4, (D_IN, D_OUT), dtype=jnp.float32, minval=-scale, maxval=scale)
    return {"x": x, "edge_index": edge_index, "W_mu": W_mu, "W_log_var": W_log_var}


def _gcn_conv(x, edge_index, W):
    # Faithful to torch_geometric GCNConv: add self loops, symmetric normalization,
    # linear transform, scatter-add aggregation at dst nodes.
    N = x.shape[0]
    src = edge_index[0]
    dst = edge_index[1]
    loop = jnp.arange(N, dtype=src.dtype)
    src = jnp.concatenate([src, loop])
    dst = jnp.concatenate([dst, loop])
    deg = jnp.zeros((N,), dtype=x.dtype).at[dst].add(1.0)
    deg_inv_sqrt = jnp.where(deg > 0, 1.0 / jnp.sqrt(deg), 0.0)
    norm = deg_inv_sqrt[src] * deg_inv_sqrt[dst]
    h = x @ W
    msg = h[src] * norm[:, None]
    out = jnp.zeros((N, W.shape[1]), dtype=x.dtype).at[dst].add(msg)
    return out


def reference(x, edge_index, W_mu, W_log_var):
    mu = _gcn_conv(x, edge_index, W_mu)
    log_var = _gcn_conv(x, edge_index, W_log_var)
    # reparametrize: z = mu + exp(0.5*log_var) * epsilon
    epsilon = jax.random.normal(jax.random.key(1), mu.shape, dtype=mu.dtype)
    std = jnp.exp(0.5 * log_var)
    z = mu + std * epsilon
    return (z, mu, log_var)

if __name__ == "__main__":
    import jax
    _d = setup_inputs()
    print(jax.jit(kernel)(*tuple(_d.values())))

</pallas_src>

<mosaic_0001>
#map = affine_map<(d0, d1) -> (0, 0)>
module attributes {stable_mosaic.version = 14 : i64} {
  func.func @deg_kernel(%arg0: i32, %arg1: i32, %arg2: memref<2560x128xi32, #tpu.memory_space<hbm>>, %arg3: memref<32x10240xf32, #tpu.memory_space<hbm>>, %arg4: memref<80x128xi32, #tpu.memory_space<vmem>>, %arg5: memref<10240xf32, #tpu.memory_space<vmem>>) attributes {dimension_semantics = [#tpu.dimension_semantics<core_parallel>, #tpu.dimension_semantics<subcore_parallel>], iteration_bounds = array<i64: 2, 16>, scalar_prefetch = 0 : i64, scratch_operands = 2 : i64, tpu.core_type = #tpu.core_type<sc_vector_subcore>, window_params = [{transform_indices = #map}, {transform_indices = #map}]} {
    %mul3A = arith.constant 2 : i32
    %mul3A_0 = arith.muli %arg1, %mul3A : i32
    %add3A = arith.addi %mul3A_0, %arg0 : i32
    %mul3A_1 = arith.constant 80 : i32
    %mul3A_2 = arith.muli %add3A, %mul3A_1 : i32
    "tpu.region"() ({
      %run_scoped3A = tpu.sem_alloc : memref<!tpu.dma_semaphore, #tpu.memory_space<semaphore_mem>>
      %dma_start3A = arith.constant 0 : i32
      %dma_start3A_15 = tpu.memref_slice %arg2[%mul3A_2, %dma_start3A] : memref<2560x128xi32, #tpu.memory_space<hbm>> -> memref<80x128xi32, #tpu.memory_space<hbm>>
      %dma_start3A_16 = arith.constant 0 : i32
      %dma_start3A_17 = tpu.memref_slice %arg2[%mul3A_2, %dma_start3A_16] : memref<2560x128xi32, #tpu.memory_space<hbm>> -> memref<80x128xi32, #tpu.memory_space<hbm>>
      tpu.enqueue_dma source(%dma_start3A_17 : memref<80x128xi32, #tpu.memory_space<hbm>>) target(%arg4 : memref<80x128xi32, #tpu.memory_space<vmem>>) target_semaphore(%run_scoped3A : memref<!tpu.dma_semaphore, #tpu.memory_space<semaphore_mem>>)
      %dma_wait3A = arith.constant 0 : i32
      %dma_wait3A_18 = tpu.memref_slice %arg2[%mul3A_2, %dma_wait3A] : memref<2560x128xi32, #tpu.memory_space<hbm>> -> memref<80x128xi32, #tpu.memory_space<hbm>>
      %dma_wait3A_19 = arith.constant 0 : i32
      %dma_wait3A_20 = tpu.memref_slice %arg2[%mul3A_2, %dma_wait3A_19] : memref<2560x128xi32, #tpu.memory_space<hbm>> -> memref<80x128xi32, #tpu.memory_space<hbm>>
      tpu.wait_dma2 semaphore(%run_scoped3A : memref<!tpu.dma_semaphore, #tpu.memory_space<semaphore_mem>>) src(%dma_wait3A_20 : memref<80x128xi32, #tpu.memory_space<hbm>>) dst(%arg4 : memref<80x128xi32, #tpu.memory_space<vmem>>)
      tpu.yield
    }) : () -> ()
    %broadcast_in_dim3A = arith.constant 0.000000e+00 : f32
    %broadcast_in_dim3A_3 = vector.broadcast %broadcast_in_dim3A : f32 to vector<16xf32>
    %scan3A = arith.constant 0 : i32
    %scan3A_4 = arith.constant 640 : i32
    %scan3A_5 = arith.addi %scan3A, %scan3A_4 : i32
    %scan3A_6 = arith.constant 1 : i32
    scf.for %scan3A_15 = %scan3A to %scan3A_5 step %scan3A_6  : i32 {
      %mul3A_16 = arith.constant 1 : i32
      %mul3A_17 = arith.muli %scan3A_15, %mul3A_16 : i32
      %add3A_18 = arith.constant 0 : i32
      %add3A_19 = arith.addi %add3A_18, %mul3A_17 : i32
      %mul3A_20 = arith.constant 16 : i32
      %mul3A_21 = arith.muli %add3A_19, %mul3A_20 : i32
      %swap3A = arith.index_cast %mul3A_21 : i32 to index
      %swap3A_22 = tpu.vector_load %arg5[%swap3A] {strides = array<i32>} : memref<10240xf32, #tpu.memory_space<vmem>>, vector<16xf32>,
      tpu.vector_store %arg5[%swap3A], %broadcast_in_dim3A_3 {strides = array<i32>} : memref<10240xf32, #tpu.memory_space<vmem>>, vector<16xf32>,
    }
    %scan3A_7 = arith.constant 640 : i32
    %broadcast_in_dim3A_8 = arith.constant 1.000000e+00 : f32
    %broadcast_in_dim3A_9 = vector.broadcast %broadcast_in_dim3A_8 : f32 to vector<16xf32>
    %scan3A_10 = arith.constant 0 : i32
    %scan3A_11 = arith.constant 80 : i32
    %scan3A_12 = arith.addi %scan3A_10, %scan3A_11 : i32
    %scan3A_13 = arith.constant 1 : i32
    scf.for %scan3A_15 = %scan3A_10 to %scan3A_12 step %scan3A_13  : i32 {
      %mul3A_16 = arith.constant 1 : i32
      %mul3A_17 = arith.muli %scan3A_15, %mul3A_16 : i32
      %add3A_18 = arith.constant 0 : i32
      %add3A_19 = arith.addi %add3A_18, %mul3A_17 : i32
      %get3A = arith.index_cast %add3A_19 : i32 to index
      %get3A_20 = arith.constant 0 : index
      %get3A_21 = tpu.vector_load %arg4[%get3A, %get3A_20] {strides = array<i32>} : memref<80x128xi32, #tpu.memory_space<vmem>>, vector<16xi32>,
      tpu.vector_store_idx %arg5[%get3A_21], %broadcast_in_dim3A_9 {add = true} : memref<10240xf32, #tpu.memory_space<vmem>>[vector<16xi32>], vector<16xf32>,
      %get3A_22 = arith.index_cast %add3A_19 : i32 to index
      %get3A_23 = arith.constant 16 : index
      %get3A_24 = tpu.vector_load %arg4[%get3A_22, %get3A_23] {strides = array<i32>} : memref<80x128xi32, #tpu.memory_space<vmem>>, vector<16xi32>,
      tpu.vector_store_idx %arg5[%get3A_24], %broadcast_in_dim3A_9 {add = true} : memref<10240xf32, #tpu.memory_space<vmem>>[vector<16xi32>], vector<16xf32>,
      %get3A_25 = arith.index_cast %add3A_19 : i32 to index
      %get3A_26 = arith.constant 32 : index
      %get3A_27 = tpu.vector_load %arg4[%get3A_25, %get3A_26] {strides = array<i32>} : memref<80x128xi32, #tpu.memory_space<vmem>>, vector<16xi32>,
      tpu.vector_store_idx %arg5[%get3A_27], %broadcast_in_dim3A_9 {add = true} : memref<10240xf32, #tpu.memory_space<vmem>>[vector<16xi32>], vector<16xf32>,
      %get3A_28 = arith.index_cast %add3A_19 : i32 to index
      %get3A_29 = arith.constant 48 : index
      %get3A_30 = tpu.vector_load %arg4[%get3A_28, %get3A_29] {strides = array<i32>} : memref<80x128xi32, #tpu.memory_space<vmem>>, vector<16xi32>,
      tpu.vector_store_idx %arg5[%get3A_30], %broadcast_in_dim3A_9 {add = true} : memref<10240xf32, #tpu.memory_space<vmem>>[vector<16xi32>], vector<16xf32>,
      %get3A_31 = arith.index_cast %add3A_19 : i32 to index
      %get3A_32 = arith.constant 64 : index
      %get3A_33 = tpu.vector_load %arg4[%get3A_31, %get3A_32] {strides = array<i32>} : memref<80x128xi32, #tpu.memory_space<vmem>>, vector<16xi32>,
      tpu.vector_store_idx %arg5[%get3A_33], %broadcast_in_dim3A_9 {add = true} : memref<10240xf32, #tpu.memory_space<vmem>>[vector<16xi32>], vector<16xf32>,
      %get3A_34 = arith.index_cast %add3A_19 : i32 to index
      %get3A_35 = arith.constant 80 : index
      %get3A_36 = tpu.vector_load %arg4[%get3A_34, %get3A_35] {strides = array<i32>} : memref<80x128xi32, #tpu.memory_space<vmem>>, vector<16xi32>,
      tpu.vector_store_idx %arg5[%get3A_36], %broadcast_in_dim3A_9 {add = true} : memref<10240xf32, #tpu.memory_space<vmem>>[vector<16xi32>], vector<16xf32>,
      %get3A_37 = arith.index_cast %add3A_19 : i32 to index
      %get3A_38 = arith.constant 96 : index
      %get3A_39 = tpu.vector_load %arg4[%get3A_37, %get3A_38] {strides = array<i32>} : memref<80x128xi32, #tpu.memory_space<vmem>>, vector<16xi32>,
      tpu.vector_store_idx %arg5[%get3A_39], %broadcast_in_dim3A_9 {add = true} : memref<10240xf32, #tpu.memory_space<vmem>>[vector<16xi32>], vector<16xf32>,
      %get3A_40 = arith.index_cast %add3A_19 : i32 to index
      %get3A_41 = arith.constant 112 : index
      %get3A_42 = tpu.vector_load %arg4[%get3A_40, %get3A_41] {strides = array<i32>} : memref<80x128xi32, #tpu.memory_space<vmem>>, vector<16xi32>,
      tpu.vector_store_idx %arg5[%get3A_42], %broadcast_in_dim3A_9 {add = true} : memref<10240xf32, #tpu.memory_space<vmem>>[vector<16xi32>], vector<16xf32>,
    }
    %scan3A_14 = arith.constant 80 : i32
    "tpu.region"() ({
      %run_scoped3A = tpu.sem_alloc : memref<!tpu.dma_semaphore, #tpu.memory_space<semaphore_mem>>
      %dma_start3A = arith.constant 0 : i32
      %dma_start3A_15 = tpu.memref_slice %arg3[%add3A, %dma_start3A] : memref<32x10240xf32, #tpu.memory_space<hbm>> -> memref<1x10240xf32, #tpu.memory_space<hbm>>
      %dma_start3A_16 = tpu.memref_squeeze %dma_start3A_15 : memref<1x10240xf32, #tpu.memory_space<hbm>> -> memref<10240xf32, #tpu.memory_space<hbm>>
      %dma_start3A_17 = arith.constant 0 : i32
      %dma_start3A_18 = tpu.memref_slice %arg3[%add3A, %dma_start3A_17] : memref<32x10240xf32, #tpu.memory_space<hbm>> -> memref<1x10240xf32, #tpu.memory_space<hbm>>
      %dma_start3A_19 = tpu.memref_squeeze %dma_start3A_18 : memref<1x10240xf32, #tpu.memory_space<hbm>> -> memref<10240xf32, #tpu.memory_space<hbm>>
      tpu.enqueue_dma source(%arg5 : memref<10240xf32, #tpu.memory_space<vmem>>) target(%dma_start3A_19 : memref<10240xf32, #tpu.memory_space<hbm>>) target_semaphore(%run_scoped3A : memref<!tpu.dma_semaphore, #tpu.memory_space<semaphore_mem>>)
      %dma_wait3A = arith.constant 0 : i32
      %dma_wait3A_20 = tpu.memref_slice %arg3[%add3A, %dma_wait3A] : memref<32x10240xf32, #tpu.memory_space<hbm>> -> memref<1x10240xf32, #tpu.memory_space<hbm>>
      %dma_wait3A_21 = tpu.memref_squeeze %dma_wait3A_20 : memref<1x10240xf32, #tpu.memory_space<hbm>> -> memref<10240xf32, #tpu.memory_space<hbm>>
      %dma_wait3A_22 = arith.constant 0 : i32
      %dma_wait3A_23 = tpu.memref_slice %arg3[%add3A, %dma_wait3A_22] : memref<32x10240xf32, #tpu.memory_space<hbm>> -> memref<1x10240xf32, #tpu.memory_space<hbm>>
      %dma_wait3A_24 = tpu.memref_squeeze %dma_wait3A_23 : memref<1x10240xf32, #tpu.memory_space<hbm>> -> memref<10240xf32, #tpu.memory_space<hbm>>
      tpu.wait_dma2 semaphore(%run_scoped3A : memref<!tpu.dma_semaphore, #tpu.memory_space<semaphore_mem>>) src(%arg5 : memref<10240xf32, #tpu.memory_space<vmem>>) dst(%dma_wait3A_24 : memref<10240xf32, #tpu.memory_space<hbm>>)
      tpu.yield
    }) : () -> ()
    return
  }
}

#map = affine_map<(d0, d1) -> (0, 0)>
#map1 = affine_map<(d0, d1) -> (0, 0, 0, 0)>
#map2 = affine_map<(d0, d1) -> (0, 0, 0)>
module attributes {stable_mosaic.version = 14 : i64} {
  func.func @acc_kernel(%arg0: i32, %arg1: i32, %arg2: memref<20480x128xf32, #tpu.memory_space<hbm>>, %arg3: memref<2x2560x2x128xi32, #tpu.memory_space<hbm>>, %arg4: memref<2x10240x128xf32, #tpu.memory_space<hbm>>, %arg5: memref<4x2x128xi32, #tpu.memory_space<vmem>>, %arg6: memref<2x128x128xf32, #tpu.memory_space<vmem>>, %arg7: memref<10240x128xf32, #tpu.memory_space<vmem_shared>>, %arg8: memref<!tpu.dma_semaphore, #tpu.memory_space<semaphore_mem>>, %arg9: memref<!tpu.dma_semaphore, #tpu.memory_space<semaphore_mem>>, %arg10: memref<!tpu.dma_semaphore, #tpu.memory_space<semaphore_mem>>, %arg11: memref<!tpu.dma_semaphore, #tpu.memory_space<semaphore_mem>>, %arg12: memref<!tpu.dma_semaphore, #tpu.memory_space<semaphore_mem>>, %arg13: memref<!tpu.dma_semaphore, #tpu.memory_space<semaphore_mem>>) attributes {dimension_semantics = [#tpu.dimension_semantics<core_parallel>, #tpu.dimension_semantics<subcore_parallel>], iteration_bounds = array<i64: 2, 16>, scalar_prefetch = 0 : i64, scratch_operands = 9 : i64, tpu.core_type = #tpu.core_type<sc_vector_subcore>, window_params = [{transform_indices = #map}, {transform_indices = #map1}, {transform_indices = #map2}]} {
    %mul3A = arith.constant 160 : i32
    %mul3A_0 = arith.muli %arg1, %mul3A : i32
    %scan3A = arith.constant 0 : i32
    %scan3A_1 = arith.constant 5 : i32
    %scan3A_2 = arith.addi %scan3A, %scan3A_1 : i32
    %scan3A_3 = arith.constant 1 : i32
    scf.for %scan3A_116 = %scan3A to %scan3A_2 step %scan3A_3  : i32 {
      %mul3A_117 = arith.constant 1 : i32
      %mul3A_118 = arith.muli %scan3A_116, %mul3A_117 : i32
      %add3A_119 = arith.constant 0 : i32
      %add3A_120 = arith.addi %add3A_119, %mul3A_118 : i32
      %mul3A_121 = arith.constant 640 : i32
      %mul3A_122 = arith.muli %arg1, %mul3A_121 : i32
      %mul3A_123 = arith.constant 128 : i32
      %mul3A_124 = arith.muli %add3A_120, %mul3A_123 : i32
      %add3A_125 = arith.addi %mul3A_122, %mul3A_124 : i32
      %mul3A_126 = arith.constant 10240 : i32
      %mul3A_127 = arith.muli %arg0, %mul3A_126 : i32
      %add3A_128 = arith.addi %mul3A_127, %add3A_125 : i32
      %run_scoped3A = arith.constant 0 : i32
      "tpu.region"() ({
        %run_scoped3A_130 = tpu.sem_alloc : memref<!tpu.dma_semaphore, #tpu.memory_space<semaphore_mem>>
        %dma_start3A_131 = arith.constant 0 : i32
        %dma_start3A_132 = arith.constant 0 : i32
        %dma_start3A_133 = tpu.memref_slice %arg6[%run_scoped3A, %dma_start3A_131, %dma_start3A_132] : memref<2x128x128xf32, #tpu.memory_space<vmem>> -> memref<1x128x128xf32, #tpu.memory_space<vmem>>
        %dma_start3A_134 = tpu.memref_squeeze %dma_start3A_133 : memref<1x128x128xf32, #tpu.memory_space<vmem>> -> memref<128x128xf32, #tpu.memory_space<vmem>>
        %dma_start3A_135 = arith.constant 0 : i32
        %dma_start3A_136 = tpu.memref_slice %arg2[%add3A_128, %dma_start3A_135] : memref<20480x128xf32, #tpu.memory_space<hbm>> -> memref<128x128xf32, #tpu.memory_space<hbm>>
        %dma_start3A_137 = arith.constant 0 : i32
        %dma_start3A_138 = arith.constant 0 : i32
        %dma_start3A_139 = tpu.memref_slice %arg6[%run_scoped3A, %dma_start3A_137, %dma_start3A_138] : memref<2x128x128xf32, #tpu.memory_space<vmem>> -> memref<1x128x128xf32, #tpu.memory_space<vmem>>
        %dma_start3A_140 = tpu.memref_squeeze %dma_start3A_139 : memref<1x128x128xf32, #tpu.memory_space<vmem>> -> memref<128x128xf32, #tpu.memory_space<vmem>>
        %dma_start3A_141 = arith.constant 0 : i32
        %dma_start3A_142 = tpu.memref_slice %arg2[%add3A_128, %dma_start3A_141] : memref<20480x128xf32, #tpu.memory_space<hbm>> -> memref<128x128xf32, #tpu.memory_space<hbm>>
        tpu.enqueue_dma source(%dma_start3A_142 : memref<128x128xf32, #tpu.memory_space<hbm>>) target(%dma_start3A_140 : memref<128x128xf32, #tpu.memory_space<vmem>>) target_semaphore(%run_scoped3A_130 : memref<!tpu.dma_semaphore, #tpu.memory_space<semaphore_mem>>)
        %dma_wait3A_143 = arith.constant 0 : i32
        %dma_wait3A_144 = arith.constant 0 : i32
        %dma_wait3A_145 = tpu.memref_slice %arg6[%run_scoped3A, %dma_wait3A_143, %dma_wait3A_144] : memref<2x128x128xf32, #tpu.memory_space<vmem>> -> memref<1x128x128xf32, #tpu.memory_space<vmem>>
        %dma_wait3A_146 = tpu.memref_squeeze %dma_wait3A_145 : memref<1x128x128xf32, #tpu.memory_space<vmem>> -> memref<128x128xf32, #tpu.memory_space<vmem>>
        %dma_wait3A_147 = arith.constant 0 : i32
        %dma_wait3A_148 = tpu.memref_slice %arg2[%add3A_128, %dma_wait3A_147] : memref<20480x128xf32, #tpu.memory_space<hbm>> -> memref<128x128xf32, #tpu.memory_space<hbm>>
        %dma_wait3A_149 = arith.constant 0 : i32
        %dma_wait3A_150 = arith.constant 0 : i32
        %dma_wait3A_151 = tpu.memref_slice %arg6[%run_scoped3A, %dma_wait3A_149, %dma_wait3A_150] : memref<2x128x128xf32, #tpu.memory_space<vmem>> -> memref<1x128x128xf32, #tpu.memory_space<vmem>>
        %dma_wait3A_152 = tpu.memref_squeeze %dma_wait3A_151 : memref<1x128x128xf32, #tpu.memory_space<vmem>> -> memref<128x128xf32, #tpu.memory_space<vmem>>
        %dma_wait3A_153 = arith.constant 0 : i32
        %dma_wait3A_154 = tpu.memref_slice %arg2[%add3A_128, %dma_wait3A_153] : memref<20480x128xf32, #tpu.memory_space<hbm>> -> memref<128x128xf32, #tpu.memory_space<hbm>>
        tpu.wait_dma2 semaphore(%run_scoped3A_130 : memref<!tpu.dma_semaphore, #tpu.memory_space<semaphore_mem>>) src(%dma_wait3A_154 : memref<128x128xf32, #tpu.memory_space<hbm>>) dst(%dma_wait3A_152 : memref<128x128xf32, #tpu.memory_space<vmem>>)
        tpu.yield
      }) : () -> ()
      %run_scoped3A_129 = arith.constant 0 : i32
      "tpu.region"() ({
        %run_scoped3A_130 = tpu.sem_alloc : memref<!tpu.dma_semaphore, #tpu.memory_space<semaphore_mem>>
        %dma_start3A_131 = arith.constant 0 : i32
        %dma_start3A_132 = arith.constant 0 : i32
        %dma_start3A_133 = tpu.memref_slice %arg6[%run_scoped3A_129, %dma_start3A_131, %dma_start3A_132] : memref<2x128x128xf32, #tpu.memory_space<vmem>> -> memref<1x128x128xf32, #tpu.memory_space<vmem>>
        %dma_start3A_134 = tpu.memref_squeeze %dma_start3A_133 : memref<1x128x128xf32, #tpu.memory_space<vmem>> -> memref<128x128xf32, #tpu.memory_space<vmem>>
        %dma_start3A_135 = arith.constant 0 : i32
        %dma_start3A_136 = tpu.memref_slice %arg7[%add3A_125, %dma_start3A_135] : memref<10240x128xf32, #tpu.memory_space<vmem_shared>> -> memref<128x128xf32, #tpu.memory_space<vmem_shared>>
        %dma_start3A_137 = arith.constant 0 : i32
        %dma_start3A_138 = tpu.memref_slice %arg7[%add3A_125, %dma_start3A_137] : memref<10240x128xf32, #tpu.memory_space<vmem_shared>> -> memref<128x128xf32, #tpu.memory_space<vmem_shared>>
        %dma_start3A_139 = arith.constant 0 : i32
        %dma_start3A_140 = arith.constant 0 : i32
        %dma_start3A_141 = tpu.memref_slice %arg6[%run_scoped3A_129, %dma_start3A_139, %dma_start3A_140] : memref<2x128x128xf32, #tpu.memory_space<vmem>> -> memref<1x128x128xf32, #tpu.memory_space<vmem>>
        %dma_start3A_142 = tpu.memref_squeeze %dma_start3A_141 : memref<1x128x128xf32, #tpu.memory_space<vmem>> -> memref<128x128xf32, #tpu.memory_space<vmem>>
        tpu.enqueue_dma source(%dma_start3A_142 : memref<128x128xf32, #tpu.memory_space<vmem>>) target(%dma_start3A_138 : memref<128x128xf32, #tpu.memory_space<vmem_shared>>) target_semaphore(%run_scoped3A_130 : memref<!tpu.dma_semaphore, #tpu.memory_space<semaphore_mem>>)
        %dma_wait3A_143 = arith.constant 0 : i32
        %dma_wait3A_144 = arith.constant 0 : i32
        %dma_wait3A_145 = tpu.memref_slice %arg6[%run_scoped3A_129, %dma_wait3A_143, %dma_wait3A_144] : memref<2x128x128xf32, #tpu.memory_space<vmem>> -> memref<1x128x128xf32, #tpu.memory_space<vmem>>
        %dma_wait3A_146 = tpu.memref_squeeze %dma_wait3A_145 : memref<1x128x128xf32, #tpu.memory_space<vmem>> -> memref<128x128xf32, #tpu.memory_space<vmem>>
        %dma_wait3A_147 = arith.constant 0 : i32
        %dma_wait3A_148 = tpu.memref_slice %arg7[%add3A_125, %dma_wait3A_147] : memref<10240x128xf32, #tpu.memory_space<vmem_shared>> -> memref<128x128xf32, #tpu.memory_space<vmem_shared>>
        %dma_wait3A_149 = arith.constant 0 : i32
        %dma_wait3A_150 = tpu.memref_slice %arg7[%add3A_125, %dma_wait3A_149] : memref<10240x128xf32, #tpu.memory_space<vmem_shared>> -> memref<128x128xf32, #tpu.memory_space<vmem_shared>>
        %dma_wait3A_151 = arith.constant 0 : i32
        %dma_wait3A_152 = arith.constant 0 : i32
        %dma_wait3A_153 = tpu.memref_slice %arg6[%run_scoped3A_129, %dma_wait3A_151, %dma_wait3A_152] : memref<2x128x128xf32, #tpu.memory_space<vmem>> -> memref<1x128x128xf32, #tpu.memory_space<vmem>>
        %dma_wait3A_154 = tpu.memref_squeeze %dma_wait3A_153 : memref<1x128x128xf32, #tpu.memory_space<vmem>> -> memref<128x128xf32, #tpu.memory_space<vmem>>
        tpu.wait_dma2 semaphore(%run_scoped3A_130 : memref<!tpu.dma_semaphore, #tpu.memory_space<semaphore_mem>>) src(%dma_wait3A_154 : memref<128x128xf32, #tpu.memory_space<vmem>>) dst(%dma_wait3A_150 : memref<128x128xf32, #tpu.memory_space<vmem_shared>>)
        tpu.yield
      }) : () -> ()
    }
    %scan3A_4 = arith.constant 5 : i32
    %barrier3A = arith.constant 0 : index
    tpu.barrier barrier_id(%barrier3A)
    %add3A = arith.constant 0 : i32
    %add3A_5 = arith.addi %mul3A_0, %add3A : i32
    %dma_start3A = arith.constant 0 : i32
    %dma_start3A_6 = arith.constant 0 : i32
    %dma_start3A_7 = arith.constant 0 : i32
    %dma_start3A_8 = tpu.memref_slice %arg5[%dma_start3A, %dma_start3A_6, %dma_start3A_7] : memref<4x2x128xi32, #tpu.memory_space<vmem>> -> memref<1x2x128xi32, #tpu.memory_space<vmem>>
    %dma_start3A_9 = tpu.memref_squeeze %dma_start3A_8 : memref<1x2x128xi32, #tpu.memory_space<vmem>> -> memref<2x128xi32, #tpu.memory_space<vmem>>
    %dma_start3A_10 = arith.constant 0 : i32
    %dma_start3A_11 = arith.constant 0 : i32
    %dma_start3A_12 = tpu.memref_slice %arg3[%arg0, %add3A_5, %dma_start3A_10, %dma_start3A_11] : memref<2x2560x2x128xi32, #tpu.memory_space<hbm>> -> memref<1x1x2x128xi32, #tpu.memory_space<hbm>>
    %dma_start3A_13 = tpu.memref_squeeze %dma_start3A_12 : memref<1x1x2x128xi32, #tpu.memory_space<hbm>> -> memref<2x128xi32, #tpu.memory_space<hbm>>
    %dma_start3A_14 = arith.constant 0 : i32
    %dma_start3A_15 = arith.constant 0 : i32
    %dma_start3A_16 = tpu.memref_slice %arg5[%dma_start3A, %dma_start3A_14, %dma_start3A_15] : memref<4x2x128xi32, #tpu.memory_space<vmem>> -> memref<1x2x128xi32, #tpu.memory_space<vmem>>
    %dma_start3A_17 = tpu.memref_squeeze %dma_start3A_16 : memref<1x2x128xi32, #tpu.memory_space<vmem>> -> memref<2x128xi32, #tpu.memory_space<vmem>>
    %dma_start3A_18 = arith.constant 0 : i32
    %dma_start3A_19 = arith.constant 0 : i32
    %dma_start3A_20 = tpu.memref_slice %arg3[%arg0, %add3A_5, %dma_start3A_18, %dma_start3A_19] : memref<2x2560x2x128xi32, #tpu.memory_space<hbm>> -> memref<1x1x2x128xi32, #tpu.memory_space<hbm>>
    %dma_start3A_21 = tpu.memref_squeeze %dma_start3A_20 : memref<1x1x2x128xi32, #tpu.memory_space<hbm>> -> memref<2x128xi32, #tpu.memory_space<hbm>>
    tpu.enqueue_dma source(%dma_start3A_21 : memref<2x128xi32, #tpu.memory_space<hbm>>) target(%dma_start3A_17 : memref<2x128xi32, #tpu.memory_space<vmem>>) target_semaphore(%arg10 : memref<!tpu.dma_semaphore, #tpu.memory_space<semaphore_mem>>)
    %add3A_22 = arith.constant 1 : i32
    %add3A_23 = arith.addi %mul3A_0, %add3A_22 : i32
    %dma_start3A_24 = arith.constant 1 : i32
    %dma_start3A_25 = arith.constant 0 : i32
    %dma_start3A_26 = arith.constant 0 : i32
    %dma_start3A_27 = tpu.memref_slice %arg5[%dma_start3A_24, %dma_start3A_25, %dma_start3A_26] : memref<4x2x128xi32, #tpu.memory_space<vmem>> -> memref<1x2x128xi32, #tpu.memory_space<vmem>>
    %dma_start3A_28 = tpu.memref_squeeze %dma_start3A_27 : memref<1x2x128xi32, #tpu.memory_space<vmem>> -> memref<2x128xi32, #tpu.memory_space<vmem>>
    %dma_start3A_29 = arith.constant 0 : i32
    %dma_start3A_30 = arith.constant 0 : i32
    %dma_start3A_31 = tpu.memref_slice %arg3[%arg0, %add3A_23, %dma_start3A_29, %dma_start3A_30] : memref<2x2560x2x128xi32, #tpu.memory_space<hbm>> -> memref<1x1x2x128xi32, #tpu.memory_space<hbm>>
    %dma_start3A_32 = tpu.memref_squeeze %dma_start3A_31 : memref<1x1x2x128xi32, #tpu.memory_space<hbm>> -> memref<2x128xi32, #tpu.memory_space<hbm>>
    %dma_start3A_33 = arith.constant 0 : i32
    %dma_start3A_34 = arith.constant 0 : i32
    %dma_start3A_35 = tpu.memref_slice %arg5[%dma_start3A_24, %dma_start3A_33, %dma_start3A_34] : memref<4x2x128xi32, #tpu.memory_space<vmem>> -> memref<1x2x128xi32, #tpu.memory_space<vmem>>
    %dma_start3A_36 = tpu.memref_squeeze %dma_start3A_35 : memref<1x2x128xi32, #tpu.memory_space<vmem>> -> memref<2x128xi32, #tpu.memory_space<vmem>>
    %dma_start3A_37 = arith.constant 0 : i32
    %dma_start3A_38 = arith.constant 0 : i32
    %dma_start3A_39 = tpu.memref_slice %arg3[%arg0, %add3A_23, %dma_start3A_37, %dma_start3A_38] : memref<2x2560x2x128xi32, #tpu.memory_space<hbm>> -> memref<1x1x2x128xi32, #tpu.memory_space<hbm>>
    %dma_start3A_40 = tpu.memref_squeeze %dma_start3A_39 : memref<1x1x2x128xi32, #tpu.memory_space<hbm>> -> memref<2x128xi32, #tpu.memory_space<hbm>>
    tpu.enqueue_dma source(%dma_start3A_40 : memref<2x128xi32, #tpu.memory_space<hbm>>) target(%dma_start3A_36 : memref<2x128xi32, #tpu.memory_space<vmem>>) target_semaphore(%arg11 : memref<!tpu.dma_semaphore, #tpu.memory_space<semaphore_mem>>)
    %add3A_41 = arith.constant 2 : i32
    %add3A_42 = arith.addi %mul3A_0, %add3A_41 : i32
    %dma_start3A_43 = arith.constant 2 : i32
    %dma_start3A_44 = arith.constant 0 : i32
    %dma_start3A_45 = arith.constant 0 : i32
    %dma_start3A_46 = tpu.memref_slice %arg5[%dma_start3A_43, %dma_start3A_44, %dma_start3A_45] : memref<4x2x128xi32, #tpu.memory_space<vmem>> -> memref<1x2x128xi32, #tpu.memory_space<vmem>>
    %dma_start3A_47 = tpu.memref_squeeze %dma_start3A_46 : memref<1x2x128xi32, #tpu.memory_space<vmem>> -> memref<2x128xi32, #tpu.memory_space<vmem>>
    %dma_start3A_48 = arith.constant 0 : i32
    %dma_start3A_49 = arith.constant 0 : i32
    %dma_start3A_50 = tpu.memref_slice %arg3[%arg0, %add3A_42, %dma_start3A_48, %dma_start3A_49] : memref<2x2560x2x128xi32, #tpu.memory_space<hbm>> -> memref<1x1x2x128xi32, #tpu.memory_space<hbm>>
    %dma_start3A_51 = tpu.memref_squeeze %dma_start3A_50 : memref<1x1x2x128xi32, #tpu.memory_space<hbm>> -> memref<2x128xi32, #tpu.memory_space<hbm>>
    %dma_start3A_52 = arith.constant 0 : i32
    %dma_start3A_53 = arith.constant 0 : i32
    %dma_start3A_54 = tpu.memref_slice %arg5[%dma_start3A_43, %dma_start3A_52, %dma_start3A_53] : memref<4x2x128xi32, #tpu.memory_space<vmem>> -> memref<1x2x128xi32, #tpu.memory_space<vmem>>
    %dma_start3A_55 = tpu.memref_squeeze %dma_start3A_54 : memref<1x2x128xi32, #tpu.memory_space<vmem>> -> memref<2x128xi32, #tpu.memory_space<vmem>>
    %dma_start3A_56 = arith.constant 0 : i32
    %dma_start3A_57 = arith.constant 0 : i32
    %dma_start3A_58 = tpu.memref_slice %arg3[%arg0, %add3A_42, %dma_start3A_56, %dma_start3A_57] : memref<2x2560x2x128xi32, #tpu.memory_space<hbm>> -> memref<1x1x2x128xi32, #tpu.memory_space<hbm>>
    %dma_start3A_59 = tpu.memref_squeeze %dma_start3A_58 : memref<1x1x2x128xi32, #tpu.memory_space<hbm>> -> memref<2x128xi32, #tpu.memory_space<hbm>>
    tpu.enqueue_dma source(%dma_start3A_59 : memref<2x128xi32, #tpu.memory_space<hbm>>) target(%dma_start3A_55 : memref<2x128xi32, #tpu.memory_space<vmem>>) target_semaphore(%arg12 : memref<!tpu.dma_semaphore, #tpu.memory_space<semaphore_mem>>)
    %dma_wait3A = arith.constant 0 : i32
    %dma_wait3A_60 = arith.constant 0 : i32
    %dma_wait3A_61 = arith.constant 0 : i32
    %dma_wait3A_62 = arith.constant 0 : i32
    %dma_wait3A_63 = tpu.memref_slice %arg5[%dma_wait3A_60, %dma_wait3A_61, %dma_wait3A_62] : memref<4x2x128xi32, #tpu.memory_space<vmem>> -> memref<1x2x128xi32, #tpu.memory_space<vmem>>
    %dma_wait3A_64 = tpu.memref_squeeze %dma_wait3A_63 : memref<1x2x128xi32, #tpu.memory_space<vmem>> -> memref<2x128xi32, #tpu.memory_space<vmem>>
    %dma_wait3A_65 = arith.constant 0 : i32
    %dma_wait3A_66 = arith.constant 0 : i32
    %dma_wait3A_67 = tpu.memref_slice %arg3[%arg0, %dma_wait3A, %dma_wait3A_65, %dma_wait3A_66] : memref<2x2560x2x128xi32, #tpu.memory_space<hbm>> -> memref<1x1x2x128xi32, #tpu.memory_space<hbm>>
    %dma_wait3A_68 = tpu.memref_squeeze %dma_wait3A_67 : memref<1x1x2x128xi32, #tpu.memory_space<hbm>> -> memref<2x128xi32, #tpu.memory_space<hbm>>
    %dma_wait3A_69 = arith.constant 0 : i32
    %dma_wait3A_70 = arith.constant 0 : i32
    %dma_wait3A_71 = tpu.memref_slice %arg5[%dma_wait3A_60, %dma_wait3A_69, %dma_wait3A_70] : memref<4x2x128xi32, #tpu.memory_space<vmem>> -> memref<1x2x128xi32, #tpu.memory_space<vmem>>
    %dma_wait3A_72 = tpu.memref_squeeze %dma_wait3A_71 : memref<1x2x128xi32, #tpu.memory_space<vmem>> -> memref<2x128xi32, #tpu.memory_space<vmem>>
    %dma_wait3A_73 = arith.constant 0 : i32
    %dma_wait3A_74 = arith.constant 0 : i32
    %dma_wait3A_75 = tpu.memref_slice %arg3[%arg0, %dma_wait3A, %dma_wait3A_73, %dma_wait3A_74] : memref<2x2560x2x128xi32, #tpu.memory_space<hbm>> -> memref<1x1x2x128xi32, #tpu.memory_space<hbm>>
    %dma_wait3A_76 = tpu.memref_squeeze %dma_wait3A_75 : memref<1x1x2x128xi32, #tpu.memory_space<hbm>> -> memref<2x128xi32, #tpu.memory_space<hbm>>
    tpu.wait_dma2 semaphore(%arg10 : memref<!tpu.dma_semaphore, #tpu.memory_space<semaphore_mem>>) src(%dma_wait3A_76 : memref<2x128xi32, #tpu.memory_space<hbm>>) dst(%dma_wait3A_72 : memref<2x128xi32, #tpu.memory_space<vmem>>)
    %dma_start3A_77 = arith.constant 0 : i32
    %dma_start3A_78 = arith.constant 0 : i32
    %dma_start3A_79 = arith.constant 0 : i32
    %dma_start3A_80 = arith.constant 0 : i32
    %dma_start3A_81 = arith.constant 0 : i32
    %dma_start3A_82 = tpu.memref_slice %arg6[%dma_start3A_79, %dma_start3A_80, %dma_start3A_81] : memref<2x128x128xf32, #tpu.memory_space<vmem>> -> memref<1x128x128xf32, #tpu.memory_space<vmem>>
    %dma_start3A_83 = tpu.memref_squeeze %dma_start3A_82 : memref<1x128x128xf32, #tpu.memory_space<vmem>> -> memref<128x128xf32, #tpu.memory_space<vmem>>
    %dma_start3A_84 = arith.constant 0 : i32
    %dma_start3A_85 = tpu.memref_slice %arg5[%dma_start3A_77, %dma_start3A_78, %dma_start3A_84] : memref<4x2x128xi32, #tpu.memory_space<vmem>> -> memref<1x1x128xi32, #tpu.memory_space<vmem>>
    %dma_start3A_86 = tpu.memref_squeeze %dma_start3A_85 : memref<1x1x128xi32, #tpu.memory_space<vmem>> -> memref<128xi32, #tpu.memory_space<vmem>>
    %dma_start3A_87 = arith.constant 0 : i32
    %dma_start3A_88 = arith.constant 0 : i32
    %dma_start3A_89 = tpu.memref_slice %arg2[%dma_start3A_87, %dma_start3A_88] : memref<20480x128xf32, #tpu.memory_space<hbm>> -> memref<20480x128xf32, #tpu.memory_space<hbm>>
    tpu.enqueue_indirect_dma source(%dma_start3A_89 : memref<20480x128xf32, #tpu.memory_space<hbm>>) target(%dma_start3A_83 : memref<128x128xf32, #tpu.memory_space<vmem>>) offsets(%dma_start3A_86 : memref<128xi32, #tpu.memory_space<vmem>>) semaphore(%arg8 : memref<!tpu.dma_semaphore, #tpu.memory_space<semaphore_mem>>)
    %scan3A_90 = arith.constant 0 : i32
    %scan3A_91 = arith.constant 40 : i32
    %scan3A_92 = arith.addi %scan3A_90, %scan3A_91 : i32
    %scan3A_93 = arith.constant 1 : i32
    scf.for %scan3A_116 = %scan3A_90 to %scan3A_92 step %scan3A_93  : i32 {
      %mul3A_117 = arith.constant 4 : i32
      %mul3A_118 = arith.muli %scan3A_116, %mul3A_117 : i32
      %add3A_119 = arith.constant 0 : i32
      %add3A_120 = arith.addi %add3A_119, %mul3A_118 : i32
      %add3A_121 = arith.constant 0 : i32
      %add3A_122 = arith.addi %add3A_120, %add3A_121 : i32
      %ge3A = arith.constant 1 : i32
      %ge3A_123 = arith.cmpi sge, %add3A_122, %ge3A : i32
      %convert_element_type3A = arith.extui %ge3A_123 : i1 to i32
      %cond3A = arith.constant 0 : i32
      %cond3A_124 = arith.cmpi ne, %convert_element_type3A, %cond3A : i32
      scf.if %cond3A_124 {
        %dma_wait3A_313 = arith.constant 1 : i32
        %dma_wait3A_314 = arith.constant 0 : i32
        %dma_wait3A_315 = arith.constant 0 : i32
        %dma_wait3A_316 = tpu.memref_slice %arg6[%dma_wait3A_313, %dma_wait3A_314, %dma_wait3A_315] : memref<2x128x128xf32, #tpu.memory_space<vmem>> -> memref<1x128x128xf32, #tpu.memory_space<vmem>>
        %dma_wait3A_317 = tpu.memref_squeeze %dma_wait3A_316 : memref<1x128x128xf32, #tpu.memory_space<vmem>> -> memref<128x128xf32, #tpu.memory_space<vmem>>
        %dma_wait3A_318 = arith.constant 0 : i32
        %dma_wait3A_319 = arith.constant 0 : i32
        %dma_wait3A_320 = tpu.memref_slice %arg2[%dma_wait3A_318, %dma_wait3A_319] : memref<20480x128xf32, #tpu.memory_space<hbm>> -> memref<128x128xf32, #tpu.memory_space<hbm>>
        %dma_wait3A_321 = arith.constant 0 : i32
        %dma_wait3A_322 = arith.constant 0 : i32
        %dma_wait3A_323 = tpu.memref_slice %arg6[%dma_wait3A_313, %dma_wait3A_321, %dma_wait3A_322] : memref<2x128x128xf32, #tpu.memory_space<vmem>> -> memref<1x128x128xf32, #tpu.memory_space<vmem>>
        %dma_wait3A_324 = tpu.memref_squeeze %dma_wait3A_323 : memref<1x128x128xf32, #tpu.memory_space<vmem>> -> memref<128x128xf32, #tpu.memory_space<vmem>>
        %dma_wait3A_325 = arith.constant 0 : i32
        %dma_wait3A_326 = arith.constant 0 : i32
        %dma_wait3A_327 = tpu.memref_slice %arg2[%dma_wait3A_325, %dma_wait3A_326] : memref<20480x128xf32, #tpu.memory_space<hbm>> -> memref<128x128xf32, #tpu.memory_space<hbm>>
        tpu.wait_dma2 semaphore(%arg9 : memref<!tpu.dma_semaphore, #tpu.memory_space<semaphore_mem>>) src(%dma_wait3A_327 : memref<128x128xf32, #tpu.memory_space<hbm>>) dst(%dma_wait3A_324 : memref<128x128xf32, #tpu.memory_space<vmem>>)
      } else {
      }
      %add3A_125 = arith.constant 1 : i32
      %add3A_126 = arith.addi %add3A_122, %add3A_125 : i32
      %lt3A = arith.constant 160 : i32
      %lt3A_127 = arith.cmpi slt, %add3A_126, %lt3A : i32
      %convert_element_type3A_128 = arith.extui %lt3A_127 : i1 to i32
      %cond3A_129 = arith.constant 0 : i32
      %cond3A_130 = arith.cmpi ne, %convert_element_type3A_128, %cond3A_129 : i32
      scf.if %cond3A_130 {
        %dma_wait3A_313 = arith.constant 0 : i32
        %dma_wait3A_314 = arith.constant 1 : i32
        %dma_wait3A_315 = arith.constant 0 : i32
        %dma_wait3A_316 = arith.constant 0 : i32
        %dma_wait3A_317 = tpu.memref_slice %arg5[%dma_wait3A_314, %dma_wait3A_315, %dma_wait3A_316] : memref<4x2x128xi32, #tpu.memory_space<vmem>> -> memref<1x2x128xi32, #tpu.memory_space<vmem>>
        %dma_wait3A_318 = tpu.memref_squeeze %dma_wait3A_317 : memref<1x2x128xi32, #tpu.memory_space<vmem>> -> memref<2x128xi32, #tpu.memory_space<vmem>>
        %dma_wait3A_319 = arith.constant 0 : i32
        %dma_wait3A_320 = arith.constant 0 : i32
        %dma_wait3A_321 = tpu.memref_slice %arg3[%arg0, %dma_wait3A_313, %dma_wait3A_319, %dma_wait3A_320] : memref<2x2560x2x128xi32, #tpu.memory_space<hbm>> -> memref<1x1x2x128xi32, #tpu.memory_space<hbm>>
        %dma_wait3A_322 = tpu.memref_squeeze %dma_wait3A_321 : memref<1x1x2x128xi32, #tpu.memory_space<hbm>> -> memref<2x128xi32, #tpu.memory_space<hbm>>
        %dma_wait3A_323 = arith.constant 0 : i32
        %dma_wait3A_324 = arith.constant 0 : i32
        %dma_wait3A_325 = tpu.memref_slice %arg5[%dma_wait3A_314, %dma_wait3A_323, %dma_wait3A_324] : memref<4x2x128xi32, #tpu.memory_space<vmem>> -> memref<1x2x128xi32, #tpu.memory_space<vmem>>
        %dma_wait3A_326 = tpu.memref_squeeze %dma_wait3A_325 : memref<1x2x128xi32, #tpu.memory_space<vmem>> -> memref<2x128xi32, #tpu.memory_space<vmem>>
        %dma_wait3A_327 = arith.constant 0 : i32
        %dma_wait3A_328 = arith.constant 0 : i32
        %dma_wait3A_329 = tpu.memref_slice %arg3[%arg0, %dma_wait3A_313, %dma_wait3A_327, %dma_wait3A_328] : memref<2x2560x2x128xi32, #tpu.memory_space<hbm>> -> memref<1x1x2x128xi32, #tpu.memory_space<hbm>>
        %dma_wait3A_330 = tpu.memref_squeeze %dma_wait3A_329 : memref<1x1x2x128xi32, #tpu.memory_space<hbm>> -> memref<2x128xi32, #tpu.memory_space<hbm>>
        tpu.wait_dma2 semaphore(%arg11 : memref<!tpu.dma_semaphore, #tpu.memory_space<semaphore_mem>>) src(%dma_wait3A_330 : memref<2x128xi32, #tpu.memory_space<hbm>>) dst(%dma_wait3A_326 : memref<2x128xi32, #tpu.memory_space<vmem>>)
        %dma_start3A_331 = arith.constant 1 : i32
        %dma_start3A_332 = arith.constant 0 : i32
        %dma_start3A_333 = arith.constant 1 : i32
        %dma_start3A_334 = arith.constant 0 : i32
        %dma_start3A_335 = arith.constant 0 : i32
        %dma_start3A_336 = tpu.memref_slice %arg6[%dma_start3A_333, %dma_start3A_334, %dma_start3A_335] : memref<2x128x128xf32, #tpu.memory_space<vmem>> -> memref<1x128x128xf32, #tpu.memory_space<vmem>>
        %dma_start3A_337 = tpu.memref_squeeze %dma_start3A_336 : memref<1x128x128xf32, #tpu.memory_space<vmem>> -> memref<128x128xf32, #tpu.memory_space<vmem>>
        %dma_start3A_338 = arith.constant 0 : i32
        %dma_start3A_339 = tpu.memref_slice %arg5[%dma_start3A_331, %dma_start3A_332, %dma_start3A_338] : memref<4x2x128xi32, #tpu.memory_space<vmem>> -> memref<1x1x128xi32, #tpu.memory_space<vmem>>
        %dma_start3A_340 = tpu.memref_squeeze %dma_start3A_339 : memref<1x1x128xi32, #tpu.memory_space<vmem>> -> memref<128xi32, #tpu.memory_space<vmem>>
        %dma_start3A_341 = arith.constant 0 : i32
        %dma_start3A_342 = arith.constant 0 : i32
        %dma_start3A_343 = tpu.memref_slice %arg2[%dma_start3A_341, %dma_start3A_342] : memref<20480x128xf32, #tpu.memory_space<hbm>> -> memref<20480x128xf32, #tpu.memory_space<hbm>>
        tpu.enqueue_indirect_dma source(%dma_start3A_343 : memref<20480x128xf32, #tpu.memory_space<hbm>>) target(%dma_start3A_337 : memref<128x128xf32, #tpu.memory_space<vmem>>) offsets(%dma_start3A_340 : memref<128xi32, #tpu.memory_space<vmem>>) semaphore(%arg9 : memref<!tpu.dma_semaphore, #tpu.memory_space<semaphore_mem>>)
      } else {
      }
      %add3A_131 = arith.constant 3 : i32
      %add3A_132 = arith.addi %add3A_122, %add3A_131 : i32
      %lt3A_133 = arith.constant 160 : i32
      %lt3A_134 = arith.cmpi slt, %add3A_132, %lt3A_133 : i32
      %convert_element_type3A_135 = arith.extui %lt3A_134 : i1 to i32
      %cond3A_136 = arith.constant 0 : i32
      %cond3A_137 = arith.cmpi ne, %convert_element_type3A_135, %cond3A_136 : i32
      scf.if %cond3A_137 {
        %add3A_313 = arith.addi %mul3A_0, %add3A_122 : i32
        %add3A_314 = arith.constant 3 : i32
        %add3A_315 = arith.addi %add3A_313, %add3A_314 : i32
        %dma_start3A_316 = arith.constant 3 : i32
        %dma_start3A_317 = arith.constant 0 : i32
        %dma_start3A_318 = arith.constant 0 : i32
        %dma_start3A_319 = tpu.memref_slice %arg5[%dma_start3A_316, %dma_start3A_317, %dma_start3A_318] : memref<4x2x128xi32, #tpu.memory_space<vmem>> -> memref<1x2x128xi32, #tpu.memory_space<vmem>>
        %dma_start3A_320 = tpu.memref_squeeze %dma_start3A_319 : memref<1x2x128xi32, #tpu.memory_space<vmem>> -> memref<2x128xi32, #tpu.memory_space<vmem>>
        %dma_start3A_321 = arith.constant 0 : i32
        %dma_start3A_322 = arith.constant 0 : i32
        %dma_start3A_323 = tpu.memref_slice %arg3[%arg0, %add3A_315, %dma_start3A_321, %dma_start3A_322] : memref<2x2560x2x128xi32, #tpu.memory_space<hbm>> -> memref<1x1x2x128xi32, #tpu.memory_space<hbm>>
        %dma_start3A_324 = tpu.memref_squeeze %dma_start3A_323 : memref<1x1x2x128xi32, #tpu.memory_space<hbm>> -> memref<2x128xi32, #tpu.memory_space<hbm>>
        %dma_start3A_325 = arith.constant 0 : i32
        %dma_start3A_326 = arith.constant 0 : i32
        %dma_start3A_327 = tpu.memref_slice %arg5[%dma_start3A_316, %dma_start3A_325, %dma_start3A_326] : memref<4x2x128xi32, #tpu.memory_space<vmem>> -> memref<1x2x128xi32, #tpu.memory_space<vmem>>
        %dma_start3A_328 = tpu.memref_squeeze %dma_start3A_327 : memref<1x2x128xi32, #tpu.memory_space<vmem>> -> memref<2x128xi32, #tpu.memory_space<vmem>>
        %dma_start3A_329 = arith.constant 0 : i32
        %dma_start3A_330 = arith.constant 0 : i32
        %dma_start3A_331 = tpu.memref_slice %arg3[%arg0, %add3A_315, %dma_start3A_329, %dma_start3A_330] : memref<2x2560x2x128xi32, #tpu.memory_space<hbm>> -> memref<1x1x2x128xi32, #tpu.memory_space<hbm>>
        %dma_start3A_332 = tpu.memref_squeeze %dma_start3A_331 : memref<1x1x2x128xi32, #tpu.memory_space<hbm>> -> memref<2x128xi32, #tpu.memory_space<hbm>>
        tpu.enqueue_dma source(%dma_start3A_332 : memref<2x128xi32, #tpu.memory_space<hbm>>) target(%dma_start3A_328 : memref<2x128xi32, #tpu.memory_space<vmem>>) target_semaphore(%arg13 : memref<!tpu.dma_semaphore, #tpu.memory_space<semaphore_mem>>)
      } else {
      }
      %dma_wait3A_138 = arith.constant 0 : i32
      %dma_wait3A_139 = arith.constant 0 : i32
      %dma_wait3A_140 = arith.constant 0 : i32
      %dma_wait3A_141 = tpu.memref_slice %arg6[%dma_wait3A_138, %dma_wait3A_139, %dma_wait3A_140] : memref<2x128x128xf32, #tpu.memory_space<vmem>> -> memref<1x128x128xf32, #tpu.memory_space<vmem>>
      %dma_wait3A_142 = tpu.memref_squeeze %dma_wait3A_141 : memref<1x128x128xf32, #tpu.memory_space<vmem>> -> memref<128x128xf32, #tpu.memory_space<vmem>>
      %dma_wait3A_143 = arith.constant 0 : i32
      %dma_wait3A_144 = arith.constant 0 : i32
      %dma_wait3A_145 = tpu.memref_slice %arg2[%dma_wait3A_143, %dma_wait3A_144] : memref<20480x128xf32, #tpu.memory_space<hbm>> -> memref<128x128xf32, #tpu.memory_space<hbm>>
      %dma_wait3A_146 = arith.constant 0 : i32
      %dma_wait3A_147 = arith.constant 0 : i32
      %dma_wait3A_148 = tpu.memref_slice %arg6[%dma_wait3A_138, %dma_wait3A_146, %dma_wait3A_147] : memref<2x128x128xf32, #tpu.memory_space<vmem>> -> memref<1x128x128xf32, #tpu.memory_space<vmem>>
      %dma_wait3A_149 = tpu.memref_squeeze %dma_wait3A_148 : memref<1x128x128xf32, #tpu.memory_space<vmem>> -> memref<128x128xf32, #tpu.memory_space<vmem>>
      %dma_wait3A_150 = arith.constant 0 : i32
      %dma_wait3A_151 = arith.constant 0 : i32
      %dma_wait3A_152 = tpu.memref_slice %arg2[%dma_wait3A_150, %dma_wait3A_151] : memref<20480x128xf32, #tpu.memory_space<hbm>> -> memref<128x128xf32, #tpu.memory_space<hbm>>
      tpu.wait_dma2 semaphore(%arg8 : memref<!tpu.dma_semaphore, #tpu.memory_space<semaphore_mem>>) src(%dma_wait3A_152 : memref<128x128xf32, #tpu.memory_space<hbm>>) dst(%dma_wait3A_149 : memref<128x128xf32, #tpu.memory_space<vmem>>)
      %dma_start3A_153 = arith.constant 0 : i32
      %dma_start3A_154 = arith.constant 0 : i32
      %dma_start3A_155 = arith.constant 1 : i32
      %dma_start3A_156 = arith.constant 0 : i32
      %dma_start3A_157 = arith.constant 0 : i32
      %dma_start3A_158 = tpu.memref_slice %arg6[%dma_start3A_153, %dma_start3A_156, %dma_start3A_157] : memref<2x128x128xf32, #tpu.memory_space<vmem>> -> memref<1x128x128xf32, #tpu.memory_space<vmem>>
      %dma_start3A_159 = tpu.memref_squeeze %dma_start3A_158 : memref<1x128x128xf32, #tpu.memory_space<vmem>> -> memref<128x128xf32, #tpu.memory_space<vmem>>
      %dma_start3A_160 = arith.constant 0 : i32
      %dma_start3A_161 = tpu.memref_slice %arg5[%dma_start3A_154, %dma_start3A_155, %dma_start3A_160] : memref<4x2x128xi32, #tpu.memory_space<vmem>> -> memref<1x1x128xi32, #tpu.memory_space<vmem>>
      %dma_start3A_162 = tpu.memref_squeeze %dma_start3A_161 : memref<1x1x128xi32, #tpu.memory_space<vmem>> -> memref<128xi32, #tpu.memory_space<vmem>>
      %dma_start3A_163 = arith.constant 0 : i32
      %dma_start3A_164 = arith.constant 0 : i32
      %dma_start3A_165 = tpu.memref_slice %arg7[%dma_start3A_163, %dma_start3A_164] : memref<10240x128xf32, #tpu.memory_space<vmem_shared>> -> memref<10240x128xf32, #tpu.memory_space<vmem_shared>>
      tpu.enqueue_indirect_dma source(%dma_start3A_159 : memref<128x128xf32, #tpu.memory_space<vmem>>) target(%dma_start3A_165 : memref<10240x128xf32, #tpu.memory_space<vmem_shared>>) offsets(%dma_start3A_162 : memref<128xi32, #tpu.memory_space<vmem>>) semaphore(%arg8 : memref<!tpu.dma_semaphore, #tpu.memory_space<semaphore_mem>>) {add = true}
      %add3A_166 = arith.constant 1 : i32
      %add3A_167 = arith.addi %add3A_120, %add3A_166 : i32
      %ge3A_168 = arith.constant 1 : i32
      %ge3A_169 = arith.cmpi sge, %add3A_167, %ge3A_168 : i32
      %convert_element_type3A_170 = arith.extui %ge3A_169 : i1 to i32
      %cond3A_171 = arith.constant 0 : i32
      %cond3A_172 = arith.cmpi ne, %convert_element_type3A_170, %cond3A_171 : i32
      scf.if %cond3A_172 {
        %dma_wait3A_313 = arith.constant 0 : i32
        %dma_wait3A_314 = arith.constant 0 : i32
        %dma_wait3A_315 = arith.constant 0 : i32
        %dma_wait3A_316 = tpu.memref_slice %arg6[%dma_wait3A_313, %dma_wait3A_314, %dma_wait3A_315] : memref<2x128x128xf32, #tpu.memory_space<vmem>> -> memref<1x128x128xf32, #tpu.memory_space<vmem>>
        %dma_wait3A_317 = tpu.memref_squeeze %dma_wait3A_316 : memref<1x128x128xf32, #tpu.memory_space<vmem>> -> memref<128x128xf32, #tpu.memory_space<vmem>>
        %dma_wait3A_318 = arith.constant 0 : i32
        %dma_wait3A_319 = arith.constant 0 : i32
        %dma_wait3A_320 = tpu.memref_slice %arg2[%dma_wait3A_318, %dma_wait3A_319] : memref<20480x128xf32, #tpu.memory_space<hbm>> -> memref<128x128xf32, #tpu.memory_space<hbm>>
        %dma_wait3A_321 = arith.constant 0 : i32
        %dma_wait3A_322 = arith.constant 0 : i32
        %dma_wait3A_323 = tpu.memref_slice %arg6[%dma_wait3A_313, %dma_wait3A_321, %dma_wait3A_322] : memref<2x128x128xf32, #tpu.memory_space<vmem>> -> memref<1x128x128xf32, #tpu.memory_space<vmem>>
        %dma_wait3A_324 = tpu.memref_squeeze %dma_wait3A_323 : memref<1x128x128xf32, #tpu.memory_space<vmem>> -> memref<128x128xf32, #tpu.memory_space<vmem>>
        %dma_wait3A_325 = arith.constant 0 : i32
        %dma_wait3A_326 = arith.constant 0 : i32
        %dma_wait3A_327 = tpu.memref_slice %arg2[%dma_wait3A_325, %dma_wait3A_326] : memref<20480x128xf32, #tpu.memory_space<hbm>> -> memref<128x128xf32, #tpu.memory_space<hbm>>
        tpu.wait_dma2 semaphore(%arg8 : memref<!tpu.dma_semaphore, #tpu.memory_space<semaphore_mem>>) src(%dma_wait3A_327 : memref<128x128xf32, #tpu.memory_space<hbm>>) dst(%dma_wait3A_324 : memref<128x128xf32, #tpu.memory_space<vmem>>)
      } else {
      }
      %add3A_173 = arith.constant 1 : i32
      %add3A_174 = arith.addi %add3A_167, %add3A_173 : i32
      %lt3A_175 = arith.constant 160 : i32
      %lt3A_176 = arith.cmpi slt, %add3A_174, %lt3A_175 : i32
      %convert_element_type3A_177 = arith.extui %lt3A_176 : i1 to i32
      %cond3A_178 = arith.constant 0 : i32
      %cond3A_179 = arith.cmpi ne, %convert_element_type3A_177, %cond3A_178 : i32
      scf.if %cond3A_179 {
        %dma_wait3A_313 = arith.constant 0 : i32
        %dma_wait3A_314 = arith.constant 2 : i32
        %dma_wait3A_315 = arith.constant 0 : i32
        %dma_wait3A_316 = arith.constant 0 : i32
        %dma_wait3A_317 = tpu.memref_slice %arg5[%dma_wait3A_314, %dma_wait3A_315, %dma_wait3A_316] : memref<4x2x128xi32, #tpu.memory_space<vmem>> -> memref<1x2x128xi32, #tpu.memory_space<vmem>>
        %dma_wait3A_318 = tpu.memref_squeeze %dma_wait3A_317 : memref<1x2x128xi32, #tpu.memory_space<vmem>> -> memref<2x128xi32, #tpu.memory_space<vmem>>
        %dma_wait3A_319 = arith.constant 0 : i32
        %dma_wait3A_320 = arith.constant 0 : i32
        %dma_wait3A_321 = tpu.memref_slice %arg3[%arg0, %dma_wait3A_313, %dma_wait3A_319, %dma_wait3A_320] : memref<2x2560x2x128xi32, #tpu.memory_space<hbm>> -> memref<1x1x2x128xi32, #tpu.memory_space<hbm>>
        %dma_wait3A_322 = tpu.memref_squeeze %dma_wait3A_321 : memref<1x1x2x128xi32, #tpu.memory_space<hbm>> -> memref<2x128xi32, #tpu.memory_space<hbm>>
        %dma_wait3A_323 = arith.constant 0 : i32
        %dma_wait3A_324 = arith.constant 0 : i32
        %dma_wait3A_325 = tpu.memref_slice %arg5[%dma_wait3A_314, %dma_wait3A_323, %dma_wait3A_324] : memref<4x2x128xi32, #tpu.memory_space<vmem>> -> memref<1x2x128xi32, #tpu.memory_space<vmem>>
        %dma_wait3A_326 = tpu.memref_squeeze %dma_wait3A_325 : memref<1x2x128xi32, #tpu.memory_space<vmem>> -> memref<2x128xi32, #tpu.memory_space<vmem>>
        %dma_wait3A_327 = arith.constant 0 : i32
        %dma_wait3A_328 = arith.constant 0 : i32
        %dma_wait3A_329 = tpu.memref_slice %arg3[%arg0, %dma_wait3A_313, %dma_wait3A_327, %dma_wait3A_328] : memref<2x2560x2x128xi32, #tpu.memory_space<hbm>> -> memref<1x1x2x128xi32, #tpu.memory_space<hbm>>
        %dma_wait3A_330 = tpu.memref_squeeze %dma_wait3A_329 : memref<1x1x2x128xi32, #tpu.memory_space<hbm>> -> memref<2x128xi32, #tpu.memory_space<hbm>>
        tpu.wait_dma2 semaphore(%arg12 : memref<!tpu.dma_semaphore, #tpu.memory_space<semaphore_mem>>) src(%dma_wait3A_330 : memref<2x128xi32, #tpu.memory_space<hbm>>) dst(%dma_wait3A_326 : memref<2x128xi32, #tpu.memory_space<vmem>>)
        %dma_start3A_331 = arith.constant 2 : i32
        %dma_start3A_332 = arith.constant 0 : i32
        %dma_start3A_333 = arith.constant 0 : i32
        %dma_start3A_334 = arith.constant 0 : i32
        %dma_start3A_335 = arith.constant 0 : i32
        %dma_start3A_336 = tpu.memref_slice %arg6[%dma_start3A_333, %dma_start3A_334, %dma_start3A_335] : memref<2x128x128xf32, #tpu.memory_space<vmem>> -> memref<1x128x128xf32, #tpu.memory_space<vmem>>
        %dma_start3A_337 = tpu.memref_squeeze %dma_start3A_336 : memref<1x128x128xf32, #tpu.memory_space<vmem>> -> memref<128x128xf32, #tpu.memory_space<vmem>>
        %dma_start3A_338 = arith.constant 0 : i32
        %dma_start3A_339 = tpu.memref_slice %arg5[%dma_start3A_331, %dma_start3A_332, %dma_start3A_338] : memref<4x2x128xi32, #tpu.memory_space<vmem>> -> memref<1x1x128xi32, #tpu.memory_space<vmem>>
        %dma_start3A_340 = tpu.memref_squeeze %dma_start3A_339 : memref<1x1x128xi32, #tpu.memory_space<vmem>> -> memref<128xi32, #tpu.memory_space<vmem>>
        %dma_start3A_341 = arith.constant 0 : i32
        %dma_start3A_342 = arith.constant 0 : i32
        %dma_start3A_343 = tpu.memref_slice %arg2[%dma_start3A_341, %dma_start3A_342] : memref<20480x128xf32, #tpu.memory_space<hbm>> -> memref<20480x128xf32, #tpu.memory_space<hbm>>
        tpu.enqueue_indirect_dma source(%dma_start3A_343 : memref<20480x128xf32, #tpu.memory_space<hbm>>) target(%dma_start3A_337 : memref<128x128xf32, #tpu.memory_space<vmem>>) offsets(%dma_start3A_340 : memref<128xi32, #tpu.memory_space<vmem>>) semaphore(%arg8 : memref<!tpu.dma_semaphore, #tpu.memory_space<semaphore_mem>>)
      } else {
      }
      %add3A_180 = arith.constant 3 : i32
      %add3A_181 = arith.addi %add3A_167, %add3A_180 : i32
      %lt3A_182 = arith.constant 160 : i32
      %lt3A_183 = arith.cmpi slt, %add3A_181, %lt3A_182 : i32
      %convert_element_type3A_184 = arith.extui %lt3A_183 : i1 to i32
      %cond3A_185 = arith.constant 0 : i32
      %cond3A_186 = arith.cmpi ne, %convert_element_type3A_184, %cond3A_185 : i32
      scf.if %cond3A_186 {
        %add3A_313 = arith.addi %mul3A_0, %add3A_167 : i32
        %add3A_314 = arith.constant 3 : i32
        %add3A_315 = arith.addi %add3A_313, %add3A_314 : i32
        %dma_start3A_316 = arith.constant 0 : i32
        %dma_start3A_317 = arith.constant 0 : i32
        %dma_start3A_318 = arith.constant 0 : i32
        %dma_start3A_319 = tpu.memref_slice %arg5[%dma_start3A_316, %dma_start3A_317, %dma_start3A_318] : memref<4x2x128xi32, #tpu.memory_space<vmem>> -> memref<1x2x128xi32, #tpu.memory_space<vmem>>
        %dma_start3A_320 = tpu.memref_squeeze %dma_start3A_319 : memref<1x2x128xi32, #tpu.memory_space<vmem>> -> memref<2x128xi32, #tpu.memory_space<vmem>>
        %dma_start3A_321 = arith.constant 0 : i32
        %dma_start3A_322 = arith.constant 0 : i32
        %dma_start3A_323 = tpu.memref_slice %arg3[%arg0, %add3A_315, %dma_start3A_321, %dma_start3A_322] : memref<2x2560x2x128xi32, #tpu.memory_space<hbm>> -> memref<1x1x2x128xi32, #tpu.memory_space<hbm>>
        %dma_start3A_324 = tpu.memref_squeeze %dma_start3A_323 : memref<1x1x2x128xi32, #tpu.memory_space<hbm>> -> memref<2x128xi32, #tpu.memory_space<hbm>>
        %dma_start3A_325 = arith.constant 0 : i32
        %dma_start3A_326 = arith.constant 0 : i32
        %dma_start3A_327 = tpu.memref_slice %arg5[%dma_start3A_316, %dma_start3A_325, %dma_start3A_326] : memref<4x2x128xi32, #tpu.memory_space<vmem>> -> memref<1x2x128xi32, #tpu.memory_space<vmem>>
        %dma_start3A_328 = tpu.memref_squeeze %dma_start3A_327 : memref<1x2x128xi32, #tpu.memory_space<vmem>> -> memref<2x128xi32, #tpu.memory_space<vmem>>
        %dma_start3A_329 = arith.constant 0 : i32
        %dma_start3A_330 = arith.constant 0 : i32
        %dma_start3A_331 = tpu.memref_slice %arg3[%arg0, %add3A_315, %dma_start3A_329, %dma_start3A_330] : memref<2x2560x2x128xi32, #tpu.memory_space<hbm>> -> memref<1x1x2x128xi32, #tpu.memory_space<hbm>>
        %dma_start3A_332 = tpu.memref_squeeze %dma_start3A_331 : memref<1x1x2x128xi32, #tpu.memory_space<hbm>> -> memref<2x128xi32, #tpu.memory_space<hbm>>
        tpu.enqueue_dma source(%dma_start3A_332 : memref<2x128xi32, #tpu.memory_space<hbm>>) target(%dma_start3A_328 : memref<2x128xi32, #tpu.memory_space<vmem>>) target_semaphore(%arg10 : memref<!tpu.dma_semaphore, #tpu.memory_space<semaphore_mem>>)
      } else {
      }
      %dma_wait3A_187 = arith.constant 1 : i32
      %dma_wait3A_188 = arith.constant 0 : i32
      %dma_wait3A_189 = arith.constant 0 : i32
      %dma_wait3A_190 = tpu.memref_slice %arg6[%dma_wait3A_187, %dma_wait3A_188, %dma_wait3A_189] : memref<2x128x128xf32, #tpu.memory_space<vmem>> -> memref<1x128x128xf32, #tpu.memory_space<vmem>>
      %dma_wait3A_191 = tpu.memref_squeeze %dma_wait3A_190 : memref<1x128x128xf32, #tpu.memory_space<vmem>> -> memref<128x128xf32, #tpu.memory_space<vmem>>
      %dma_wait3A_192 = arith.constant 0 : i32
      %dma_wait3A_193 = arith.constant 0 : i32
      %dma_wait3A_194 = tpu.memref_slice %arg2[%dma_wait3A_192, %dma_wait3A_193] : memref<20480x128xf32, #tpu.memory_space<hbm>> -> memref<128x128xf32, #tpu.memory_space<hbm>>
      %dma_wait3A_195 = arith.constant 0 : i32
      %dma_wait3A_196 = arith.constant 0 : i32
      %dma_wait3A_197 = tpu.memref_slice %arg6[%dma_wait3A_187, %dma_wait3A_195, %dma_wait3A_196] : memref<2x128x128xf32, #tpu.memory_space<vmem>> -> memref<1x128x128xf32, #tpu.memory_space<vmem>>
      %dma_wait3A_198 = tpu.memref_squeeze %dma_wait3A_197 : memref<1x128x128xf32, #tpu.memory_space<vmem>> -> memref<128x128xf32, #tpu.memory_space<vmem>>
      %dma_wait3A_199 = arith.constant 0 : i32
      %dma_wait3A_200 = arith.constant 0 : i32
      %dma_wait3A_201 = tpu.memref_slice %arg2[%dma_wait3A_199, %dma_wait3A_200] : memref<20480x128xf32, #tpu.memory_space<hbm>> -> memref<128x128xf32, #tpu.memory_space<hbm>>
      tpu.wait_dma2 semaphore(%arg9 : memref<!tpu.dma_semaphore, #tpu.memory_space<semaphore_mem>>) src(%dma_wait3A_201 : memref<128x128xf32, #tpu.memory_space<hbm>>) dst(%dma_wait3A_198 : memref<128x128xf32, #tpu.memory_space<vmem>>)
      %dma_start3A_202 = arith.constant 1 : i32
      %dma_start3A_203 = arith.constant 1 : i32
      %dma_start3A_204 = arith.constant 1 : i32
      %dma_start3A_205 = arith.constant 0 : i32
      %dma_start3A_206 = arith.constant 0 : i32
      %dma_start3A_207 = tpu.memref_slice %arg6[%dma_start3A_202, %dma_start3A_205, %dma_start3A_206] : memref<2x128x128xf32, #tpu.memory_space<vmem>> -> memref<1x128x128xf32, #tpu.memory_space<vmem>>
      %dma_start3A_208 = tpu.memref_squeeze %dma_start3A_207 : memref<1x128x128xf32, #tpu.memory_space<vmem>> -> memref<128x128xf32, #tpu.memory_space<vmem>>
      %dma_start3A_209 = arith.constant 0 : i32
      %dma_start3A_210 = tpu.memref_slice %arg5[%dma_start3A_203, %dma_start3A_204, %dma_start3A_209] : memref<4x2x128xi32, #tpu.memory_space<vmem>> -> memref<1x1x128xi32, #tpu.memory_space<vmem>>
      %dma_start3A_211 = tpu.memref_squeeze %dma_start3A_210 : memref<1x1x128xi32, #tpu.memory_space<vmem>> -> memref<128xi32, #tpu.memory_space<vmem>>
      %dma_start3A_212 = arith.constant 0 : i32
      %dma_start3A_213 = arith.constant 0 : i32
      %dma_start3A_214 = tpu.memref_slice %arg7[%dma_start3A_212, %dma_start3A_213] : memref<10240x128xf32, #tpu.memory_space<vmem_shared>> -> memref<10240x128xf32, #tpu.memory_space<vmem_shared>>
      tpu.enqueue_indirect_dma source(%dma_start3A_208 : memref<128x128xf32, #tpu.memory_space<vmem>>) target(%dma_start3A_214 : memref<10240x128xf32, #tpu.memory_space<vmem_shared>>) offsets(%dma_start3A_211 : memref<128xi32, #tpu.memory_space<vmem>>) semaphore(%arg9 : memref<!tpu.dma_semaphore, #tpu.memory_space<semaphore_mem>>) {add = true}
      %add3A_215 = arith.constant 2 : i32
      %add3A_216 = arith.addi %add3A_120, %add3A_215 : i32
      %ge3A_217 = arith.constant 1 : i32
      %ge3A_218 = arith.cmpi sge, %add3A_216, %ge3A_217 : i32
      %convert_element_type3A_219 = arith.extui %ge3A_218 : i1 to i32
      %cond3A_220 = arith.constant 0 : i32
      %cond3A_221 = arith.cmpi ne, %convert_element_type3A_219, %cond3A_220 : i32
      scf.if %cond3A_221 {
        %dma_wait3A_313 = arith.constant 1 : i32
        %dma_wait3A_314 = arith.constant 0 : i32
        %dma_wait3A_315 = arith.constant 0 : i32
        %dma_wait3A_316 = tpu.memref_slice %arg6[%dma_wait3A_313, %dma_wait3A_314, %dma_wait3A_315] : memref<2x128x128xf32, #tpu.memory_space<vmem>> -> memref<1x128x128xf32, #tpu.memory_space<vmem>>
        %dma_wait3A_317 = tpu.memref_squeeze %dma_wait3A_316 : memref<1x128x128xf32, #tpu.memory_space<vmem>> -> memref<128x128xf32, #tpu.memory_space<vmem>>
        %dma_wait3A_318 = arith.constant 0 : i32
        %dma_wait3A_319 = arith.constant 0 : i32
        %dma_wait3A_320 = tpu.memref_slice %arg2[%dma_wait3A_318, %dma_wait3A_319] : memref<20480x128xf32, #tpu.memory_space<hbm>> -> memref<128x128xf32, #tpu.memory_space<hbm>>
        %dma_wait3A_321 = arith.constant 0 : i32
        %dma_wait3A_322 = arith.constant 0 : i32
        %dma_wait3A_323 = tpu.memref_slice %arg6[%dma_wait3A_313, %dma_wait3A_321, %dma_wait3A_322] : memref<2x128x128xf32, #tpu.memory_space<vmem>> -> memref<1x128x128xf32, #tpu.memory_space<vmem>>
        %dma_wait3A_324 = tpu.memref_squeeze %dma_wait3A_323 : memref<1x128x128xf32, #tpu.memory_space<vmem>> -> memref<128x128xf32, #tpu.memory_space<vmem>>
        %dma_wait3A_325 = arith.constant 0 : i32
        %dma_wait3A_326 = arith.constant 0 : i32
        %dma_wait3A_327 = tpu.memref_slice %arg2[%dma_wait3A_325, %dma_wait3A_326] : memref<20480x128xf32, #tpu.memory_space<hbm>> -> memref<128x128xf32, #tpu.memory_space<hbm>>
        tpu.wait_dma2 semaphore(%arg9 : memref<!tpu.dma_semaphore, #tpu.memory_space<semaphore_mem>>) src(%dma_wait3A_327 : memref<128x128xf32, #tpu.memory_space<hbm>>) dst(%dma_wait3A_324 : memref<128x128xf32, #tpu.memory_space<vmem>>)
      } else {
      }
      %add3A_222 = arith.constant 1 : i32
      %add3A_223 = arith.addi %add3A_216, %add3A_222 : i32
      %lt3A_224 = arith.constant 160 : i32
      %lt3A_225 = arith.cmpi slt, %add3A_223, %lt3A_224 : i32
      %convert_element_type3A_226 = arith.extui %lt3A_225 : i1 to i32
      %cond3A_227 = arith.constant 0 : i32
      %cond3A_228 = arith.cmpi ne, %convert_element_type3A_226, %cond3A_227 : i32
      scf.if %cond3A_228 {
        %dma_wait3A_313 = arith.constant 0 : i32
        %dma_wait3A_314 = arith.constant 3 : i32
        %dma_wait3A_315 = arith.constant 0 : i32
        %dma_wait3A_316 = arith.constant 0 : i32
        %dma_wait3A_317 = tpu.memref_slice %arg5[%dma_wait3A_314, %dma_wait3A_315, %dma_wait3A_316] : memref<4x2x128xi32, #tpu.memory_space<vmem>> -> memref<1x2x128xi32, #tpu.memory_space<vmem>>
        %dma_wait3A_318 = tpu.memref_squeeze %dma_wait3A_317 : memref<1x2x128xi32, #tpu.memory_space<vmem>> -> memref<2x128xi32, #tpu.memory_space<vmem>>
        %dma_wait3A_319 = arith.constant 0 : i32
        %dma_wait3A_320 = arith.constant 0 : i32
        %dma_wait3A_321 = tpu.memref_slice %arg3[%arg0, %dma_wait3A_313, %dma_wait3A_319, %dma_wait3A_320] : memref<2x2560x2x128xi32, #tpu.memory_space<hbm>> -> memref<1x1x2x128xi32, #tpu.memory_space<hbm>>
        %dma_wait3A_322 = tpu.memref_squeeze %dma_wait3A_321 : memref<1x1x2x128xi32, #tpu.memory_space<hbm>> -> memref<2x128xi32, #tpu.memory_space<hbm>>
        %dma_wait3A_323 = arith.constant 0 : i32
        %dma_wait3A_324 = arith.constant 0 : i32
        %dma_wait3A_325 = tpu.memref_slice %arg5[%dma_wait3A_314, %dma_wait3A_323, %dma_wait3A_324] : memref<4x2x128xi32, #tpu.memory_space<vmem>> -> memref<1x2x128xi32, #tpu.memory_space<vmem>>
        %dma_wait3A_326 = tpu.memref_squeeze %dma_wait3A_325 : memref<1x2x128xi32, #tpu.memory_space<vmem>> -> memref<2x128xi32, #tpu.memory_space<vmem>>
        %dma_wait3A_327 = arith.constant 0 : i32
        %dma_wait3A_328 = arith.constant 0 : i32
        %dma_wait3A_329 = tpu.memref_slice %arg3[%arg0, %dma_wait3A_313, %dma_wait3A_327, %dma_wait3A_328] : memref<2x2560x2x128xi32, #tpu.memory_space<hbm>> -> memref<1x1x2x128xi32, #tpu.memory_space<hbm>>
        %dma_wait3A_330 = tpu.memref_squeeze %dma_wait3A_329 : memref<1x1x2x128xi32, #tpu.memory_space<hbm>> -> memref<2x128xi32, #tpu.memory_space<hbm>>
        tpu.wait_dma2 semaphore(%arg13 : memref<!tpu.dma_semaphore, #tpu.memory_space<semaphore_mem>>) src(%dma_wait3A_330 : memref<2x128xi32, #tpu.memory_space<hbm>>) dst(%dma_wait3A_326 : memref<2x128xi32, #tpu.memory_space<vmem>>)
        %dma_start3A_331 = arith.constant 3 : i32
        %dma_start3A_332 = arith.constant 0 : i32
        %dma_start3A_333 = arith.constant 1 : i32
        %dma_start3A_334 = arith.constant 0 : i32
        %dma_start3A_335 = arith.constant 0 : i32
        %dma_start3A_336 = tpu.memref_slice %arg6[%dma_start3A_333, %dma_start3A_334, %dma_start3A_335] : memref<2x128x128xf32, #tpu.memory_space<vmem>> -> memref<1x128x128xf32, #tpu.memory_space<vmem>>
        %dma_start3A_337 = tpu.memref_squeeze %dma_start3A_336 : memref<1x128x128xf32, #tpu.memory_space<vmem>> -> memref<128x128xf32, #tpu.memory_space<vmem>>
        %dma_start3A_338 = arith.constant 0 : i32
        %dma_start3A_339 = tpu.memref_slice %arg5[%dma_start3A_331, %dma_start3A_332, %dma_start3A_338] : memref<4x2x128xi32, #tpu.memory_space<vmem>> -> memref<1x1x128xi32, #tpu.memory_space<vmem>>
        %dma_start3A_340 = tpu.memref_squeeze %dma_start3A_339 : memref<1x1x128xi32, #tpu.memory_space<vmem>> -> memref<128xi32, #tpu.memory_space<vmem>>
        %dma_start3A_341 = arith.constant 0 : i32
        %dma_start3A_342 = arith.constant 0 : i32
        %dma_start3A_343 = tpu.memref_slice %arg2[%dma_start3A_341, %dma_start3A_342] : memref<20480x128xf32, #tpu.memory_space<hbm>> -> memref<20480x128xf32, #tpu.memory_space<hbm>>
        tpu.enqueue_indirect_dma source(%dma_start3A_343 : memref<20480x128xf32, #tpu.memory_space<hbm>>) target(%dma_start3A_337 : memref<128x128xf32, #tpu.memory_space<vmem>>) offsets(%dma_start3A_340 : memref<128xi32, #tpu.memory_space<vmem>>) semaphore(%arg9 : memref<!tpu.dma_semaphore, #tpu.memory_space<semaphore_mem>>)
      } else {
      }
      %add3A_229 = arith.constant 3 : i32
      %add3A_230 = arith.addi %add3A_216, %add3A_229 : i32
      %lt3A_231 = arith.constant 160 : i32
      %lt3A_232 = arith.cmpi slt, %add3A_230, %lt3A_231 : i32
      %convert_element_type3A_233 = arith.extui %lt3A_232 : i1 to i32
      %cond3A_234 = arith.constant 0 : i32
      %cond3A_235 = arith.cmpi ne, %convert_element_type3A_233, %cond3A_234 : i32
      scf.if %cond3A_235 {
        %add3A_313 = arith.addi %mul3A_0, %add3A_216 : i32
        %add3A_314 = arith.constant 3 : i32
        %add3A_315 = arith.addi %add3A_313, %add3A_314 : i32
        %dma_start3A_316 = arith.constant 1 : i32
        %dma_start3A_317 = arith.constant 0 : i32
        %dma_start3A_318 = arith.constant 0 : i32
        %dma_start3A_319 = tpu.memref_slice %arg5[%dma_start3A_316, %dma_start3A_317, %dma_start3A_318] : memref<4x2x128xi32, #tpu.memory_space<vmem>> -> memref<1x2x128xi32, #tpu.memory_space<vmem>>
        %dma_start3A_320 = tpu.memref_squeeze %dma_start3A_319 : memref<1x2x128xi32, #tpu.memory_space<vmem>> -> memref<2x128xi32, #tpu.memory_space<vmem>>
        %dma_start3A_321 = arith.constant 0 : i32
        %dma_start3A_322 = arith.constant 0 : i32
        %dma_start3A_323 = tpu.memref_slice %arg3[%arg0, %add3A_315, %dma_start3A_321, %dma_start3A_322] : memref<2x2560x2x128xi32, #tpu.memory_space<hbm>> -> memref<1x1x2x128xi32, #tpu.memory_space<hbm>>
        %dma_start3A_324 = tpu.memref_squeeze %dma_start3A_323 : memref<1x1x2x128xi32, #tpu.memory_space<hbm>> -> memref<2x128xi32, #tpu.memory_space<hbm>>
        %dma_start3A_325 = arith.constant 0 : i32
        %dma_start3A_326 = arith.constant 0 : i32
        %dma_start3A_327 = tpu.memref_slice %arg5[%dma_start3A_316, %dma_start3A_325, %dma_start3A_326] : memref<4x2x128xi32, #tpu.memory_space<vmem>> -> memref<1x2x128xi32, #tpu.memory_space<vmem>>
        %dma_start3A_328 = tpu.memref_squeeze %dma_start3A_327 : memref<1x2x128xi32, #tpu.memory_space<vmem>> -> memref<2x128xi32, #tpu.memory_space<vmem>>
        %dma_start3A_329 = arith.constant 0 : i32
        %dma_start3A_330 = arith.constant 0 : i32
        %dma_start3A_331 = tpu.memref_slice %arg3[%arg0, %add3A_315, %dma_start3A_329, %dma_start3A_330] : memref<2x2560x2x128xi32, #tpu.memory_space<hbm>> -> memref<1x1x2x128xi32, #tpu.memory_space<hbm>>
        %dma_start3A_332 = tpu.memref_squeeze %dma_start3A_331 : memref<1x1x2x128xi32, #tpu.memory_space<hbm>> -> memref<2x128xi32, #tpu.memory_space<hbm>>
        tpu.enqueue_dma source(%dma_start3A_332 : memref<2x128xi32, #tpu.memory_space<hbm>>) target(%dma_start3A_328 : memref<2x128xi32, #tpu.memory_space<vmem>>) target_semaphore(%arg11 : memref<!tpu.dma_semaphore, #tpu.memory_space<semaphore_mem>>)
      } else {
      }
      %dma_wait3A_236 = arith.constant 0 : i32
      %dma_wait3A_237 = arith.constant 0 : i32
      %dma_wait3A_238 = arith.constant 0 : i32
      %dma_wait3A_239 = tpu.memref_slice %arg6[%dma_wait3A_236, %dma_wait3A_237, %dma_wait3A_238] : memref<2x128x128xf32, #tpu.memory_space<vmem>> -> memref<1x128x128xf32, #tpu.memory_space<vmem>>
      %dma_wait3A_240 = tpu.memref_squeeze %dma_wait3A_239 : memref<1x128x128xf32, #tpu.memory_space<vmem>> -> memref<128x128xf32, #tpu.memory_space<vmem>>
      %dma_wait3A_241 = arith.constant 0 : i32
      %dma_wait3A_242 = arith.constant 0 : i32
      %dma_wait3A_243 = tpu.memref_slice %arg2[%dma_wait3A_241, %dma_wait3A_242] : memref<20480x128xf32, #tpu.memory_space<hbm>> -> memref<128x128xf32, #tpu.memory_space<hbm>>
      %dma_wait3A_244 = arith.constant 0 : i32
      %dma_wait3A_245 = arith.constant 0 : i32
      %dma_wait3A_246 = tpu.memref_slice %arg6[%dma_wait3A_236, %dma_wait3A_244, %dma_wait3A_245] : memref<2x128x128xf32, #tpu.memory_space<vmem>> -> memref<1x128x128xf32, #tpu.memory_space<vmem>>
      %dma_wait3A_247 = tpu.memref_squeeze %dma_wait3A_246 : memref<1x128x128xf32, #tpu.memory_space<vmem>> -> memref<128x128xf32, #tpu.memory_space<vmem>>
      %dma_wait3A_248 = arith.constant 0 : i32
      %dma_wait3A_249 = arith.constant 0 : i32
      %dma_wait3A_250 = tpu.memref_slice %arg2[%dma_wait3A_248, %dma_wait3A_249] : memref<20480x128xf32, #tpu.memory_space<hbm>> -> memref<128x128xf32, #tpu.memory_space<hbm>>
      tpu.wait_dma2 semaphore(%arg8 : memref<!tpu.dma_semaphore, #tpu.memory_space<semaphore_mem>>) src(%dma_wait3A_250 : memref<128x128xf32, #tpu.memory_space<hbm>>) dst(%dma_wait3A_247 : memref<128x128xf32, #tpu.memory_space<vmem>>)
      %dma_start3A_251 = arith.constant 0 : i32
      %dma_start3A_252 = arith.constant 2 : i32
      %dma_start3A_253 = arith.constant 1 : i32
      %dma_start3A_254 = arith.constant 0 : i32
      %dma_start3A_255 = arith.constant 0 : i32
      %dma_start3A_256 = tpu.memref_slice %arg6[%dma_start3A_251, %dma_start3A_254, %dma_start3A_255] : memref<2x128x128xf32, #tpu.memory_space<vmem>> -> memref<1x128x128xf32, #tpu.memory_space<vmem>>
      %dma_start3A_257 = tpu.memref_squeeze %dma_start3A_256 : memref<1x128x128xf32, #tpu.memory_space<vmem>> -> memref<128x128xf32, #tpu.memory_space<vmem>>
      %dma_start3A_258 = arith.constant 0 : i32
      %dma_start3A_259 = tpu.memref_slice %arg5[%dma_start3A_252, %dma_start3A_253, %dma_start3A_258] : memref<4x2x128xi32, #tpu.memory_space<vmem>> -> memref<1x1x128xi32, #tpu.memory_space<vmem>>
      %dma_start3A_260 = tpu.memref_squeeze %dma_start3A_259 : memref<1x1x128xi32, #tpu.memory_space<vmem>> -> memref<128xi32, #tpu.memory_space<vmem>>
      %dma_start3A_261 = arith.constant 0 : i32
      %dma_start3A_262 = arith.constant 0 : i32
      %dma_start3A_263 = tpu.memref_slice %arg7[%dma_start3A_261, %dma_start3A_262] : memref<10240x128xf32, #tpu.memory_space<vmem_shared>> -> memref<10240x128xf32, #tpu.memory_space<vmem_shared>>
      tpu.enqueue_indirect_dma source(%dma_start3A_257 : memref<128x128xf32, #tpu.memory_space<vmem>>) target(%dma_start3A_263 : memref<10240x128xf32, #tpu.memory_space<vmem_shared>>) offsets(%dma_start3A_260 : memref<128xi32, #tpu.memory_space<vmem>>) semaphore(%arg8 : memref<!tpu.dma_semaphore, #tpu.memory_space<semaphore_mem>>) {add = true}
      %add3A_264 = arith.constant 3 : i32
      %add3A_265 = arith.addi %add3A_120, %add3A_264 : i32
      %ge3A_266 = arith.constant 1 : i32
      %ge3A_267 = arith.cmpi sge, %add3A_265, %ge3A_266 : i32
      %convert_element_type3A_268 = arith.extui %ge3A_267 : i1 to i32
      %cond3A_269 = arith.constant 0 : i32
      %cond3A_270 = arith.cmpi ne, %convert_element_type3A_268, %cond3A_269 : i32
      scf.if %cond3A_270 {
        %dma_wait3A_313 = arith.constant 0 : i32
        %dma_wait3A_314 = arith.constant 0 : i32
        %dma_wait3A_315 = arith.constant 0 : i32
        %dma_wait3A_316 = tpu.memref_slice %arg6[%dma_wait3A_313, %dma_wait3A_314, %dma_wait3A_315] : memref<2x128x128xf32, #tpu.memory_space<vmem>> -> memref<1x128x128xf32, #tpu.memory_space<vmem>>
        %dma_wait3A_317 = tpu.memref_squeeze %dma_wait3A_316 : memref<1x128x128xf32, #tpu.memory_space<vmem>> -> memref<128x128xf32, #tpu.memory_space<vmem>>
        %dma_wait3A_318 = arith.constant 0 : i32
        %dma_wait3A_319 = arith.constant 0 : i32
        %dma_wait3A_320 = tpu.memref_slice %arg2[%dma_wait3A_318, %dma_wait3A_319] : memref<20480x128xf32, #tpu.memory_space<hbm>> -> memref<128x128xf32, #tpu.memory_space<hbm>>
        %dma_wait3A_321 = arith.constant 0 : i32
        %dma_wait3A_322 = arith.constant 0 : i32
        %dma_wait3A_323 = tpu.memref_slice %arg6[%dma_wait3A_313, %dma_wait3A_321, %dma_wait3A_322] : memref<2x128x128xf32, #tpu.memory_space<vmem>> -> memref<1x128x128xf32, #tpu.memory_space<vmem>>
        %dma_wait3A_324 = tpu.memref_squeeze %dma_wait3A_323 : memref<1x128x128xf32, #tpu.memory_space<vmem>> -> memref<128x128xf32, #tpu.memory_space<vmem>>
        %dma_wait3A_325 = arith.constant 0 : i32
        %dma_wait3A_326 = arith.constant 0 : i32
        %dma_wait3A_327 = tpu.memref_slice %arg2[%dma_wait3A_325, %dma_wait3A_326] : memref<20480x128xf32, #tpu.memory_space<hbm>> -> memref<128x128xf32, #tpu.memory_space<hbm>>
        tpu.wait_dma2 semaphore(%arg8 : memref<!tpu.dma_semaphore, #tpu.memory_space<semaphore_mem>>) src(%dma_wait3A_327 : memref<128x128xf32, #tpu.memory_space<hbm>>) dst(%dma_wait3A_324 : memref<128x128xf32, #tpu.memory_space<vmem>>)
      } else {
      }
      %add3A_271 = arith.constant 1 : i32
      %add3A_272 = arith.addi %add3A_265, %add3A_271 : i32
      %lt3A_273 = arith.constant 160 : i32
      %lt3A_274 = arith.cmpi slt, %add3A_272, %lt3A_273 : i32
      %convert_element_type3A_275 = arith.extui %lt3A_274 : i1 to i32
      %cond3A_276 = arith.constant 0 : i32
      %cond3A_277 = arith.cmpi ne, %convert_element_type3A_275, %cond3A_276 : i32
      scf.if %cond3A_277 {
        %dma_wait3A_313 = arith.constant 0 : i32
        %dma_wait3A_314 = arith.constant 0 : i32
        %dma_wait3A_315 = arith.constant 0 : i32
        %dma_wait3A_316 = arith.constant 0 : i32
        %dma_wait3A_317 = tpu.memref_slice %arg5[%dma_wait3A_314, %dma_wait3A_315, %dma_wait3A_316] : memref<4x2x128xi32, #tpu.memory_space<vmem>> -> memref<1x2x128xi32, #tpu.memory_space<vmem>>
        %dma_wait3A_318 = tpu.memref_squeeze %dma_wait3A_317 : memref<1x2x128xi32, #tpu.memory_space<vmem>> -> memref<2x128xi32, #tpu.memory_space<vmem>>
        %dma_wait3A_319 = arith.constant 0 : i32
        %dma_wait3A_320 = arith.constant 0 : i32
        %dma_wait3A_321 = tpu.memref_slice %arg3[%arg0, %dma_wait3A_313, %dma_wait3A_319, %dma_wait3A_320] : memref<2x2560x2x128xi32, #tpu.memory_space<hbm>> -> memref<1x1x2x128xi32, #tpu.memory_space<hbm>>
        %dma_wait3A_322 = tpu.memref_squeeze %dma_wait3A_321 : memref<1x1x2x128xi32, #tpu.memory_space<hbm>> -> memref<2x128xi32, #tpu.memory_space<hbm>>
        %dma_wait3A_323 = arith.constant 0 : i32
        %dma_wait3A_324 = arith.constant 0 : i32
        %dma_wait3A_325 = tpu.memref_slice %arg5[%dma_wait3A_314, %dma_wait3A_323, %dma_wait3A_324] : memref<4x2x128xi32, #tpu.memory_space<vmem>> -> memref<1x2x128xi32, #tpu.memory_space<vmem>>
        %dma_wait3A_326 = tpu.memref_squeeze %dma_wait3A_325 : memref<1x2x128xi32, #tpu.memory_space<vmem>> -> memref<2x128xi32, #tpu.memory_space<vmem>>
        %dma_wait3A_327 = arith.constant 0 : i32
        %dma_wait3A_328 = arith.constant 0 : i32
        %dma_wait3A_329 = tpu.memref_slice %arg3[%arg0, %dma_wait3A_313, %dma_wait3A_327, %dma_wait3A_328] : memref<2x2560x2x128xi32, #tpu.memory_space<hbm>> -> memref<1x1x2x128xi32, #tpu.memory_space<hbm>>
        %dma_wait3A_330 = tpu.memref_squeeze %dma_wait3A_329 : memref<1x1x2x128xi32, #tpu.memory_space<hbm>> -> memref<2x128xi32, #tpu.memory_space<hbm>>
        tpu.wait_dma2 semaphore(%arg10 : memref<!tpu.dma_semaphore, #tpu.memory_space<semaphore_mem>>) src(%dma_wait3A_330 : memref<2x128xi32, #tpu.memory_space<hbm>>) dst(%dma_wait3A_326 : memref<2x128xi32, #tpu.memory_space<vmem>>)
        %dma_start3A_331 = arith.constant 0 : i32
        %dma_start3A_332 = arith.constant 0 : i32
        %dma_start3A_333 = arith.constant 0 : i32
        %dma_start3A_334 = arith.constant 0 : i32
        %dma_start3A_335 = arith.constant 0 : i32
        %dma_start3A_336 = tpu.memref_slice %arg6[%dma_start3A_333, %dma_start3A_334, %dma_start3A_335] : memref<2x128x128xf32, #tpu.memory_space<vmem>> -> memref<1x128x128xf32, #tpu.memory_space<vmem>>
        %dma_start3A_337 = tpu.memref_squeeze %dma_start3A_336 : memref<1x128x128xf32, #tpu.memory_space<vmem>> -> memref<128x128xf32, #tpu.memory_space<vmem>>
        %dma_start3A_338 = arith.constant 0 : i32
        %dma_start3A_339 = tpu.memref_slice %arg5[%dma_start3A_331, %dma_start3A_332, %dma_start3A_338] : memref<4x2x128xi32, #tpu.memory_space<vmem>> -> memref<1x1x128xi32, #tpu.memory_space<vmem>>
        %dma_start3A_340 = tpu.memref_squeeze %dma_start3A_339 : memref<1x1x128xi32, #tpu.memory_space<vmem>> -> memref<128xi32, #tpu.memory_space<vmem>>
        %dma_start3A_341 = arith.constant 0 : i32
        %dma_start3A_342 = arith.constant 0 : i32
        %dma_start3A_343 = tpu.memref_slice %arg2[%dma_start3A_341, %dma_start3A_342] : memref<20480x128xf32, #tpu.memory_space<hbm>> -> memref<20480x128xf32, #tpu.memory_space<hbm>>
        tpu.enqueue_indirect_dma source(%dma_start3A_343 : memref<20480x128xf32, #tpu.memory_space<hbm>>) target(%dma_start3A_337 : memref<128x128xf32, #tpu.memory_space<vmem>>) offsets(%dma_start3A_340 : memref<128xi32, #tpu.memory_space<vmem>>) semaphore(%arg8 : memref<!tpu.dma_semaphore, #tpu.memory_space<semaphore_mem>>)
      } else {
      }
      %add3A_278 = arith.constant 3 : i32
      %add3A_279 = arith.addi %add3A_265, %add3A_278 : i32
      %lt3A_280 = arith.constant 160 : i32
      %lt3A_281 = arith.cmpi slt, %add3A_279, %lt3A_280 : i32
      %convert_element_type3A_282 = arith.extui %lt3A_281 : i1 to i32
      %cond3A_283 = arith.constant 0 : i32
      %cond3A_284 = arith.cmpi ne, %convert_element_type3A_282, %cond3A_283 : i32
      scf.if %cond3A_284 {
        %add3A_313 = arith.addi %mul3A_0, %add3A_265 : i32
        %add3A_314 = arith.constant 3 : i32
        %add3A_315 = arith.addi %add3A_313, %add3A_314 : i32
        %dma_start3A_316 = arith.constant 2 : i32
        %dma_start3A_317 = arith.constant 0 : i32
        %dma_start3A_318 = arith.constant 0 : i32
        %dma_start3A_319 = tpu.memref_slice %arg5[%dma_start3A_316, %dma_start3A_317, %dma_start3A_318] : memref<4x2x128xi32, #tpu.memory_space<vmem>> -> memref<1x2x128xi32, #tpu.memory_space<vmem>>
        %dma_start3A_320 = tpu.memref_squeeze %dma_start3A_319 : memref<1x2x128xi32, #tpu.memory_space<vmem>> -> memref<2x128xi32, #tpu.memory_space<vmem>>
        %dma_start3A_321 = arith.constant 0 : i32
        %dma_start3A_322 = arith.constant 0 : i32
        %dma_start3A_323 = tpu.memref_slice %arg3[%arg0, %add3A_315, %dma_start3A_321, %dma_start3A_322] : memref<2x2560x2x128xi32, #tpu.memory_space<hbm>> -> memref<1x1x2x128xi32, #tpu.memory_space<hbm>>
        %dma_start3A_324 = tpu.memref_squeeze %dma_start3A_323 : memref<1x1x2x128xi32, #tpu.memory_space<hbm>> -> memref<2x128xi32, #tpu.memory_space<hbm>>
        %dma_start3A_325 = arith.constant 0 : i32
        %dma_start3A_326 = arith.constant 0 : i32
        %dma_start3A_327 = tpu.memref_slice %arg5[%dma_start3A_316, %dma_start3A_325, %dma_start3A_326] : memref<4x2x128xi32, #tpu.memory_space<vmem>> -> memref<1x2x128xi32, #tpu.memory_space<vmem>>
        %dma_start3A_328 = tpu.memref_squeeze %dma_start3A_327 : memref<1x2x128xi32, #tpu.memory_space<vmem>> -> memref<2x128xi32, #tpu.memory_space<vmem>>
        %dma_start3A_329 = arith.constant 0 : i32
        %dma_start3A_330 = arith.constant 0 : i32
        %dma_start3A_331 = tpu.memref_slice %arg3[%arg0, %add3A_315, %dma_start3A_329, %dma_start3A_330] : memref<2x2560x2x128xi32, #tpu.memory_space<hbm>> -> memref<1x1x2x128xi32, #tpu.memory_space<hbm>>
        %dma_start3A_332 = tpu.memref_squeeze %dma_start3A_331 : memref<1x1x2x128xi32, #tpu.memory_space<hbm>> -> memref<2x128xi32, #tpu.memory_space<hbm>>
        tpu.enqueue_dma source(%dma_start3A_332 : memref<2x128xi32, #tpu.memory_space<hbm>>) target(%dma_start3A_328 : memref<2x128xi32, #tpu.memory_space<vmem>>) target_semaphore(%arg12 : memref<!tpu.dma_semaphore, #tpu.memory_space<semaphore_mem>>)
      } else {
      }
      %dma_wait3A_285 = arith.constant 1 : i32
      %dma_wait3A_286 = arith.constant 0 : i32
      %dma_wait3A_287 = arith.constant 0 : i32
      %dma_wait3A_288 = tpu.memref_slice %arg6[%dma_wait3A_285, %dma_wait3A_286, %dma_wait3A_287] : memref<2x128x128xf32, #tpu.memory_space<vmem>> -> memref<1x128x128xf32, #tpu.memory_space<vmem>>
      %dma_wait3A_289 = tpu.memref_squeeze %dma_wait3A_288 : memref<1x128x128xf32, #tpu.memory_space<vmem>> -> memref<128x128xf32, #tpu.memory_space<vmem>>
      %dma_wait3A_290 = arith.constant 0 : i32
      %dma_wait3A_291 = arith.constant 0 : i32
      %dma_wait3A_292 = tpu.memref_slice %arg2[%dma_wait3A_290, %dma_wait3A_291] : memref<20480x128xf32, #tpu.memory_space<hbm>> -> memref<128x128xf32, #tpu.memory_space<hbm>>
      %dma_wait3A_293 = arith.constant 0 : i32
      %dma_wait3A_294 = arith.constant 0 : i32
      %dma_wait3A_295 = tpu.memref_slice %arg6[%dma_wait3A_285, %dma_wait3A_293, %dma_wait3A_294] : memref<2x128x128xf32, #tpu.memory_space<vmem>> -> memref<1x128x128xf32, #tpu.memory_space<vmem>>
      %dma_wait3A_296 = tpu.memref_squeeze %dma_wait3A_295 : memref<1x128x128xf32, #tpu.memory_space<vmem>> -> memref<128x128xf32, #tpu.memory_space<vmem>>
      %dma_wait3A_297 = arith.constant 0 : i32
      %dma_wait3A_298 = arith.constant 0 : i32
      %dma_wait3A_299 = tpu.memref_slice %arg2[%dma_wait3A_297, %dma_wait3A_298] : memref<20480x128xf32, #tpu.memory_space<hbm>> -> memref<128x128xf32, #tpu.memory_space<hbm>>
      tpu.wait_dma2 semaphore(%arg9 : memref<!tpu.dma_semaphore, #tpu.memory_space<semaphore_mem>>) src(%dma_wait3A_299 : memref<128x128xf32, #tpu.memory_space<hbm>>) dst(%dma_wait3A_296 : memref<128x128xf32, #tpu.memory_space<vmem>>)
      %dma_start3A_300 = arith.constant 1 : i32
      %dma_start3A_301 = arith.constant 3 : i32
      %dma_start3A_302 = arith.constant 1 : i32
      %dma_start3A_303 = arith.constant 0 : i32
      %dma_start3A_304 = arith.constant 0 : i32
      %dma_start3A_305 = tpu.memref_slice %arg6[%dma_start3A_300, %dma_start3A_303, %dma_start3A_304] : memref<2x128x128xf32, #tpu.memory_space<vmem>> -> memref<1x128x128xf32, #tpu.memory_space<vmem>>
      %dma_start3A_306 = tpu.memref_squeeze %dma_start3A_305 : memref<1x128x128xf32, #tpu.memory_space<vmem>> -> memref<128x128xf32, #tpu.memory_space<vmem>>
      %dma_start3A_307 = arith.constant 0 : i32
      %dma_start3A_308 = tpu.memref_slice %arg5[%dma_start3A_301, %dma_start3A_302, %dma_start3A_307] : memref<4x2x128xi32, #tpu.memory_space<vmem>> -> memref<1x1x128xi32, #tpu.memory_space<vmem>>
      %dma_start3A_309 = tpu.memref_squeeze %dma_start3A_308 : memref<1x1x128xi32, #tpu.memory_space<vmem>> -> memref<128xi32, #tpu.memory_space<vmem>>
      %dma_start3A_310 = arith.constant 0 : i32
      %dma_start3A_311 = arith.constant 0 : i32
      %dma_start3A_312 = tpu.memref_slice %arg7[%dma_start3A_310, %dma_start3A_311] : memref<10240x128xf32, #tpu.memory_space<vmem_shared>> -> memref<10240x128xf32, #tpu.memory_space<vmem_shared>>
      tpu.enqueue_indirect_dma source(%dma_start3A_306 : memref<128x128xf32, #tpu.memory_space<vmem>>) target(%dma_start3A_312 : memref<10240x128xf32, #tpu.memory_space<vmem_shared>>) offsets(%dma_start3A_309 : memref<128xi32, #tpu.memory_space<vmem>>) semaphore(%arg9 : memref<!tpu.dma_semaphore, #tpu.memory_space<semaphore_mem>>) {add = true}
    }
    %scan3A_94 = arith.constant 40 : i32
    %dma_wait3A_95 = arith.constant 1 : i32
    %dma_wait3A_96 = arith.constant 0 : i32
    %dma_wait3A_97 = arith.constant 0 : i32
    %dma_wait3A_98 = tpu.memref_slice %arg6[%dma_wait3A_95, %dma_wait3A_96, %dma_wait3A_97] : memref<2x128x128xf32, #tpu.memory_space<vmem>> -> memref<1x128x128xf32, #tpu.memory_space<vmem>>
    %dma_wait3A_99 = tpu.memref_squeeze %dma_wait3A_98 : memref<1x128x128xf32, #tpu.memory_space<vmem>> -> memref<128x128xf32, #tpu.memory_space<vmem>>
    %dma_wait3A_100 = arith.constant 0 : i32
    %dma_wait3A_101 = arith.constant 0 : i32
    %dma_wait3A_102 = tpu.memref_slice %arg2[%dma_wait3A_100, %dma_wait3A_101] : memref<20480x128xf32, #tpu.memory_space<hbm>> -> memref<128x128xf32, #tpu.memory_space<hbm>>
    %dma_wait3A_103 = arith.constant 0 : i32
    %dma_wait3A_104 = arith.constant 0 : i32
    %dma_wait3A_105 = tpu.memref_slice %arg6[%dma_wait3A_95, %dma_wait3A_103, %dma_wait3A_104] : memref<2x128x128xf32, #tpu.memory_space<vmem>> -> memref<1x128x128xf32, #tpu.memory_space<vmem>>
    %dma_wait3A_106 = tpu.memref_squeeze %dma_wait3A_105 : memref<1x128x128xf32, #tpu.memory_space<vmem>> -> memref<128x128xf32, #tpu.memory_space<vmem>>
    %dma_wait3A_107 = arith.constant 0 : i32
    %dma_wait3A_108 = arith.constant 0 : i32
    %dma_wait3A_109 = tpu.memref_slice %arg2[%dma_wait3A_107, %dma_wait3A_108] : memref<20480x128xf32, #tpu.memory_space<hbm>> -> memref<128x128xf32, #tpu.memory_space<hbm>>
    tpu.wait_dma2 semaphore(%arg9 : memref<!tpu.dma_semaphore, #tpu.memory_space<semaphore_mem>>) src(%dma_wait3A_109 : memref<128x128xf32, #tpu.memory_space<hbm>>) dst(%dma_wait3A_106 : memref<128x128xf32, #tpu.memory_space<vmem>>)
    %barrier3A_110 = arith.constant 0 : index
    tpu.barrier barrier_id(%barrier3A_110)
    %scan3A_111 = arith.constant 0 : i32
    %scan3A_112 = arith.constant 5 : i32
    %scan3A_113 = arith.addi %scan3A_111, %scan3A_112 : i32
    %scan3A_114 = arith.constant 1 : i32
    scf.for %scan3A_116 = %scan3A_111 to %scan3A_113 step %scan3A_114  : i32 {
      %mul3A_117 = arith.constant 1 : i32
      %mul3A_118 = arith.muli %scan3A_116, %mul3A_117 : i32
      %add3A_119 = arith.constant 0 : i32
      %add3A_120 = arith.addi %add3A_119, %mul3A_118 : i32
      %mul3A_121 = arith.constant 640 : i32
      %mul3A_122 = arith.muli %arg1, %mul3A_121 : i32
      %mul3A_123 = arith.constant 128 : i32
      %mul3A_124 = arith.muli %add3A_120, %mul3A_123 : i32
      %add3A_125 = arith.addi %mul3A_122, %mul3A_124 : i32
      %run_scoped3A = arith.constant 0 : i32
      "tpu.region"() ({
        %run_scoped3A_127 = tpu.sem_alloc : memref<!tpu.dma_semaphore, #tpu.memory_space<semaphore_mem>>
        %dma_start3A_128 = arith.constant 0 : i32
        %dma_start3A_129 = arith.constant 0 : i32
        %dma_start3A_130 = tpu.memref_slice %arg6[%run_scoped3A, %dma_start3A_128, %dma_start3A_129] : memref<2x128x128xf32, #tpu.memory_space<vmem>> -> memref<1x128x128xf32, #tpu.memory_space<vmem>>
        %dma_start3A_131 = tpu.memref_squeeze %dma_start3A_130 : memref<1x128x128xf32, #tpu.memory_space<vmem>> -> memref<128x128xf32, #tpu.memory_space<vmem>>
        %dma_start3A_132 = arith.constant 0 : i32
        %dma_start3A_133 = tpu.memref_slice %arg7[%add3A_125, %dma_start3A_132] : memref<10240x128xf32, #tpu.memory_space<vmem_shared>> -> memref<128x128xf32, #tpu.memory_space<vmem_shared>>
        %dma_start3A_134 = arith.constant 0 : i32
        %dma_start3A_135 = arith.constant 0 : i32
        %dma_start3A_136 = tpu.memref_slice %arg6[%run_scoped3A, %dma_start3A_134, %dma_start3A_135] : memref<2x128x128xf32, #tpu.memory_space<vmem>> -> memref<1x128x128xf32, #tpu.memory_space<vmem>>
        %dma_start3A_137 = tpu.memref_squeeze %dma_start3A_136 : memref<1x128x128xf32, #tpu.memory_space<vmem>> -> memref<128x128xf32, #tpu.memory_space<vmem>>
        %dma_start3A_138 = arith.constant 0 : i32
        %dma_start3A_139 = tpu.memref_slice %arg7[%add3A_125, %dma_start3A_138] : memref<10240x128xf32, #tpu.memory_space<vmem_shared>> -> memref<128x128xf32, #tpu.memory_space<vmem_shared>>
        tpu.enqueue_dma source(%dma_start3A_139 : memref<128x128xf32, #tpu.memory_space<vmem_shared>>) target(%dma_start3A_137 : memref<128x128xf32, #tpu.memory_space<vmem>>) target_semaphore(%run_scoped3A_127 : memref<!tpu.dma_semaphore, #tpu.memory_space<semaphore_mem>>)
        %dma_wait3A_140 = arith.constant 0 : i32
        %dma_wait3A_141 = arith.constant 0 : i32
        %dma_wait3A_142 = tpu.memref_slice %arg6[%run_scoped3A, %dma_wait3A_140, %dma_wait3A_141] : memref<2x128x128xf32, #tpu.memory_space<vmem>> -> memref<1x128x128xf32, #tpu.memory_space<vmem>>
        %dma_wait3A_143 = tpu.memref_squeeze %dma_wait3A_142 : memref<1x128x128xf32, #tpu.memory_space<vmem>> -> memref<128x128xf32, #tpu.memory_space<vmem>>
        %dma_wait3A_144 = arith.constant 0 : i32
        %dma_wait3A_145 = tpu.memref_slice %arg7[%add3A_125, %dma_wait3A_144] : memref<10240x128xf32, #tpu.memory_space<vmem_shared>> -> memref<128x128xf32, #tpu.memory_space<vmem_shared>>
        %dma_wait3A_146 = arith.constant 0 : i32
        %dma_wait3A_147 = arith.constant 0 : i32
        %dma_wait3A_148 = tpu.memref_slice %arg6[%run_scoped3A, %dma_wait3A_146, %dma_wait3A_147] : memref<2x128x128xf32, #tpu.memory_space<vmem>> -> memref<1x128x128xf32, #tpu.memory_space<vmem>>
        %dma_wait3A_149 = tpu.memref_squeeze %dma_wait3A_148 : memref<1x128x128xf32, #tpu.memory_space<vmem>> -> memref<128x128xf32, #tpu.memory_space<vmem>>
        %dma_wait3A_150 = arith.constant 0 : i32
        %dma_wait3A_151 = tpu.memref_slice %arg7[%add3A_125, %dma_wait3A_150] : memref<10240x128xf32, #tpu.memory_space<vmem_shared>> -> memref<128x128xf32, #tpu.memory_space<vmem_shared>>
        tpu.wait_dma2 semaphore(%run_scoped3A_127 : memref<!tpu.dma_semaphore, #tpu.memory_space<semaphore_mem>>) src(%dma_wait3A_151 : memref<128x128xf32, #tpu.memory_space<vmem_shared>>) dst(%dma_wait3A_149 : memref<128x128xf32, #tpu.memory_space<vmem>>)
        tpu.yield
      }) : () -> ()
      %run_scoped3A_126 = arith.constant 0 : i32
      "tpu.region"() ({
        %run_scoped3A_127 = tpu.sem_alloc : memref<!tpu.dma_semaphore, #tpu.memory_space<semaphore_mem>>
        %dma_start3A_128 = arith.constant 0 : i32
        %dma_start3A_129 = arith.constant 0 : i32
        %dma_start3A_130 = tpu.memref_slice %arg6[%run_scoped3A_126, %dma_start3A_128, %dma_start3A_129] : memref<2x128x128xf32, #tpu.memory_space<vmem>> -> memref<1x128x128xf32, #tpu.memory_space<vmem>>
        %dma_start3A_131 = tpu.memref_squeeze %dma_start3A_130 : memref<1x128x128xf32, #tpu.memory_space<vmem>> -> memref<128x128xf32, #tpu.memory_space<vmem>>
        %dma_start3A_132 = arith.constant 0 : i32
        %dma_start3A_133 = tpu.memref_slice %arg4[%arg0, %add3A_125, %dma_start3A_132] : memref<2x10240x128xf32, #tpu.memory_space<hbm>> -> memref<1x128x128xf32, #tpu.memory_space<hbm>>
        %dma_start3A_134 = tpu.memref_squeeze %dma_start3A_133 : memref<1x128x128xf32, #tpu.memory_space<hbm>> -> memref<128x128xf32, #tpu.memory_space<hbm>>
        %dma_start3A_135 = arith.constant 0 : i32
        %dma_start3A_136 = tpu.memref_slice %arg4[%arg0, %add3A_125, %dma_start3A_135] : memref<2x10240x128xf32, #tpu.memory_space<hbm>> -> memref<1x128x128xf32, #tpu.memory_space<hbm>>
        %dma_start3A_137 = tpu.memref_squeeze %dma_start3A_136 : memref<1x128x128xf32, #tpu.memory_space<hbm>> -> memref<128x128xf32, #tpu.memory_space<hbm>>
        %dma_start3A_138 = arith.constant 0 : i32
        %dma_start3A_139 = arith.constant 0 : i32
        %dma_start3A_140 = tpu.memref_slice %arg6[%run_scoped3A_126, %dma_start3A_138, %dma_start3A_139] : memref<2x128x128xf32, #tpu.memory_space<vmem>> -> memref<1x128x128xf32, #tpu.memory_space<vmem>>
        %dma_start3A_141 = tpu.memref_squeeze %dma_start3A_140 : memref<1x128x128xf32, #tpu.memory_space<vmem>> -> memref<128x128xf32, #tpu.memory_space<vmem>>
        tpu.enqueue_dma source(%dma_start3A_141 : memref<128x128xf32, #tpu.memory_space<vmem>>) target(%dma_start3A_137 : memref<128x128xf32, #tpu.memory_space<hbm>>) target_semaphore(%run_scoped3A_127 : memref<!tpu.dma_semaphore, #tpu.memory_space<semaphore_mem>>)
        %dma_wait3A_142 = arith.constant 0 : i32
        %dma_wait3A_143 = arith.constant 0 : i32
        %dma_wait3A_144 = tpu.memref_slice %arg6[%run_scoped3A_126, %dma_wait3A_142, %dma_wait3A_143] : memref<2x128x128xf32, #tpu.memory_space<vmem>> -> memref<1x128x128xf32, #tpu.memory_space<vmem>>
        %dma_wait3A_145 = tpu.memref_squeeze %dma_wait3A_144 : memref<1x128x128xf32, #tpu.memory_space<vmem>> -> memref<128x128xf32, #tpu.memory_space<vmem>>
        %dma_wait3A_146 = arith.constant 0 : i32
        %dma_wait3A_147 = tpu.memref_slice %arg4[%arg0, %add3A_125, %dma_wait3A_146] : memref<2x10240x128xf32, #tpu.memory_space<hbm>> -> memref<1x128x128xf32, #tpu.memory_space<hbm>>
        %dma_wait3A_148 = tpu.memref_squeeze %dma_wait3A_147 : memref<1x128x128xf32, #tpu.memory_space<hbm>> -> memref<128x128xf32, #tpu.memory_space<hbm>>
        %dma_wait3A_149 = arith.constant 0 : i32
        %dma_wait3A_150 = tpu.memref_slice %arg4[%arg0, %add3A_125, %dma_wait3A_149] : memref<2x10240x128xf32, #tpu.memory_space<hbm>> -> memref<1x128x128xf32, #tpu.memory_space<hbm>>
        %dma_wait3A_151 = tpu.memref_squeeze %dma_wait3A_150 : memref<1x128x128xf32, #tpu.memory_space<hbm>> -> memref<128x128xf32, #tpu.memory_space<hbm>>
        %dma_wait3A_152 = arith.constant 0 : i32
        %dma_wait3A_153 = arith.constant 0 : i32
        %dma_wait3A_154 = tpu.memref_slice %arg6[%run_scoped3A_126, %dma_wait3A_152, %dma_wait3A_153] : memref<2x128x128xf32, #tpu.memory_space<vmem>> -> memref<1x128x128xf32, #tpu.memory_space<vmem>>
        %dma_wait3A_155 = tpu.memref_squeeze %dma_wait3A_154 : memref<1x128x128xf32, #tpu.memory_space<vmem>> -> memref<128x128xf32, #tpu.memory_space<vmem>>
        tpu.wait_dma2 semaphore(%run_scoped3A_127 : memref<!tpu.dma_semaphore, #tpu.memory_space<semaphore_mem>>) src(%dma_wait3A_155 : memref<128x128xf32, #tpu.memory_space<vmem>>) dst(%dma_wait3A_151 : memref<128x128xf32, #tpu.memory_space<hbm>>)
        tpu.yield
      }) : () -> ()
    }
    %scan3A_115 = arith.constant 5 : i32
    return
  }
}

module attributes {stable_mosaic.version = 14 : i64} {
  func.func @_mm_body(%arg0: i32, %arg1: memref<512x128xf32, #tpu.memory_space<vmem>>, %arg2: memref<128x256xf32, #tpu.memory_space<vmem>>, %arg3: memref<32x512xf32, #tpu.memory_space<vmem>>, %arg4: memref<2x512x128xf32, #tpu.memory_space<vmem>>, %arg5: memref<512x1xf32, #tpu.memory_space<vmem>>) attributes {dimension_semantics = [#tpu.dimension_semantics<arbitrary>], iteration_bounds = array<i64: 20>, scalar_prefetch = 0 : i64, scratch_operands = 0 : i64, tpu.core_type = #tpu.core_type<tc>, window_params = [{transform_indices = @transform_0, window_bounds = array<i64: 512, 128>}, {pipeline_mode = #tpu.pipeline_mode<synchronous>, transform_indices = @transform_1, window_bounds = array<i64: 128, 256>}, {transform_indices = @transform_2, window_bounds = array<i64: 32, 512>}, {transform_indices = @transform_3, window_bounds = array<i64: 2, 512, 128>}, {transform_indices = @transform_4, window_bounds = array<i64: 512, 1>}]} {
    %get3A = arith.constant 0 : index
    %get3A_0 = arith.constant 0 : index
    %get3A_1 = vector.load %arg1[%get3A, %get3A_0] : memref<512x128xf32, #tpu.memory_space<vmem>>, vector<512x128xf32>
    %get3A_2 = arith.constant 0 : index
    %get3A_3 = arith.constant 0 : index
    %get3A_4 = vector.load %arg2[%get3A_2, %get3A_3] : memref<128x256xf32, #tpu.memory_space<vmem>>, vector<128x256xf32>
    %dot_general3A = arith.constant dense<0.000000e+00> : vector<512x256xf32>
    %dot_general3A_5 = tpu.matmul %get3A_1, %get3A_4, %dot_general3A {dimension_numbers = #tpu.dot_dimension_numbers<[1], [0], [0], [1], [0, 0, 1, 1], [], []>, transpose_lhs_hint = false} : vector<512x128xf32>, vector<128x256xf32>, vector<512x256xf32> -> vector<512x256xf32>
    %get3A_6 = arith.constant 0 : index
    %get3A_7 = arith.constant 0 : index
    %get3A_8 = vector.load %arg3[%get3A_6, %get3A_7] : memref<32x512xf32, #tpu.memory_space<vmem>>, vector<32x512xf32>
    %reduce_sum3A = arith.constant dense<0.000000e+00> : vector<512xf32>
    %reduce_sum3A_9 = vector.multi_reduction <add>, %get3A_8, %reduce_sum3A [0] : vector<32x512xf32> to vector<512xf32>
    %broadcast_in_dim3A = vector.shape_cast %reduce_sum3A_9 : vector<512xf32> to vector<512x1xf32>
    %add3A = arith.constant 1.000000e+00 : f32
    %add3A_10 = vector.broadcast %add3A : f32 to vector<512x1xf32>
    %add3A_11 = arith.addf %broadcast_in_dim3A, %add3A_10 : vector<512x1xf32>
    %swap3A = arith.constant 0 : index
    %swap3A_12 = arith.constant 0 : index
    %swap3A_13 = vector.load %arg5[%swap3A, %swap3A_12] : memref<512x1xf32, #tpu.memory_space<vmem>>, vector<512x1xf32>
    tpu.vector_store %arg5[%swap3A, %swap3A_12], %add3A_11 {strides = array<i32>} : memref<512x1xf32, #tpu.memory_space<vmem>>, vector<512x1xf32>,
    %rsqrt3A = math.rsqrt %add3A_11 : vector<512x1xf32>
    %mul3A = vector.broadcast %rsqrt3A : vector<512x1xf32> to vector<512x256xf32>
    %mul3A_14 = arith.mulf %dot_general3A_5, %mul3A : vector<512x256xf32>
    %slice3A = vector.extract_strided_slice %mul3A_14 {offsets = [0, 0], sizes = [512, 128], strides = [1, 1]} : vector<512x256xf32> to vector<512x128xf32>
    %swap3A_15 = arith.constant 0 : index
    %swap3A_16 = arith.constant 0 : index
    %swap3A_17 = arith.constant 0 : index
    %swap3A_18 = vector.load %arg4[%swap3A_15, %swap3A_16, %swap3A_17] : memref<2x512x128xf32, #tpu.memory_space<vmem>>, vector<1x512x128xf32>
    %swap3A_19 = vector.shape_cast %swap3A_18 : vector<1x512x128xf32> to vector<512x128xf32>
    %swap3A_20 = vector.shape_cast %slice3A : vector<512x128xf32> to vector<1x512x128xf32>
    tpu.vector_store %arg4[%swap3A_15, %swap3A_16, %swap3A_17], %swap3A_20 {strides = array<i32>} : memref<2x512x128xf32, #tpu.memory_space<vmem>>, vector<1x512x128xf32>,
    %slice3A_21 = vector.extract_strided_slice %mul3A_14 {offsets = [0, 128], sizes = [512, 128], strides = [1, 1]} : vector<512x256xf32> to vector<512x128xf32>
    %swap3A_22 = arith.constant 1 : index
    %swap3A_23 = arith.constant 0 : index
    %swap3A_24 = arith.constant 0 : index
    %swap3A_25 = vector.load %arg4[%swap3A_22, %swap3A_23, %swap3A_24] : memref<2x512x128xf32, #tpu.memory_space<vmem>>, vector<1x512x128xf32>
    %swap3A_26 = vector.shape_cast %swap3A_25 : vector<1x512x128xf32> to vector<512x128xf32>
    %swap3A_27 = vector.shape_cast %slice3A_21 : vector<512x128xf32> to vector<1x512x128xf32>
    tpu.vector_store %arg4[%swap3A_22, %swap3A_23, %swap3A_24], %swap3A_27 {strides = array<i32>} : memref<2x512x128xf32, #tpu.memory_space<vmem>>, vector<1x512x128xf32>,
    return
  }
  func.func @transform_0(%arg0: i32) -> (i32, i32) {
    %c0_i32 = arith.constant 0 : i32
    %c0_i32_0 = arith.constant 0 : i32
    return %arg0, %c0_i32 : i32, i32
  }
  func.func @transform_1(%arg0: i32) -> (i32, i32) {
    %c0_i32 = arith.constant 0 : i32
    %c0_i32_0 = arith.constant 0 : i32
    %c0_i32_1 = arith.constant 0 : i32
    return %c0_i32, %c0_i32_0 : i32, i32
  }
  func.func @transform_2(%arg0: i32) -> (i32, i32) {
    %c0_i32 = arith.constant 0 : i32
    %c0_i32_0 = arith.constant 0 : i32
    return %c0_i32, %arg0 : i32, i32
  }
  func.func @transform_3(%arg0: i32) -> (i32, i32, i32) {
    %c0_i32 = arith.constant 0 : i32
    %c0_i32_0 = arith.constant 0 : i32
    %c0_i32_1 = arith.constant 0 : i32
    return %c0_i32, %arg0, %c0_i32_0 : i32, i32, i32
  }
  func.func @transform_4(%arg0: i32) -> (i32, i32) {
    %c0_i32 = arith.constant 0 : i32
    %c0_i32_0 = arith.constant 0 : i32
    return %arg0, %c0_i32 : i32, i32
  }
}

module attributes {stable_mosaic.version = 14 : i64} {
  func.func @_fin_body(%arg0: i32, %arg1: memref<1x400x128xf32, #tpu.memory_space<vmem>>, %arg2: memref<1x400x128xf32, #tpu.memory_space<vmem>>, %arg3: memref<400x1xf32, #tpu.memory_space<vmem>>, %arg4: memref<400x128xf32, #tpu.memory_space<vmem>>, %arg5: memref<400x128xf32, #tpu.memory_space<vmem>>, %arg6: memref<400x128xf32, #tpu.memory_space<vmem>>, %arg7: memref<400x128xf32, #tpu.memory_space<vmem>>) attributes {dimension_semantics = [#tpu.dimension_semantics<arbitrary>], iteration_bounds = array<i64: 25>, scalar_prefetch = 0 : i64, scratch_operands = 0 : i64, tpu.core_type = #tpu.core_type<tc>, window_params = [{transform_indices = @transform_0, window_bounds = array<i64: 1, 400, 128>}, {transform_indices = @transform_1, window_bounds = array<i64: 1, 400, 128>}, {transform_indices = @transform_2, window_bounds = array<i64: 400, 1>}, {transform_indices = @transform_3, window_bounds = array<i64: 400, 128>}, {transform_indices = @transform_4, window_bounds = array<i64: 400, 128>}, {transform_indices = @transform_5, window_bounds = array<i64: 400, 128>}, {transform_indices = @transform_6, window_bounds = array<i64: 400, 128>}]} {
    %get3A = arith.constant 0 : index
    %get3A_0 = arith.constant 0 : index
    %get3A_1 = vector.load %arg3[%get3A, %get3A_0] : memref<400x1xf32, #tpu.memory_space<vmem>>, vector<400x1xf32>
    %rsqrt3A = math.rsqrt %get3A_1 : vector<400x1xf32>
    %get3A_2 = arith.constant 0 : index
    %get3A_3 = arith.constant 0 : index
    %get3A_4 = arith.constant 0 : index
    %get3A_5 = vector.load %arg1[%get3A_2, %get3A_3, %get3A_4] : memref<1x400x128xf32, #tpu.memory_space<vmem>>, vector<1x400x128xf32>
    %get3A_6 = vector.shape_cast %get3A_5 : vector<1x400x128xf32> to vector<400x128xf32>
    %mul3A = vector.broadcast %rsqrt3A : vector<400x1xf32> to vector<400x128xf32>
    %mul3A_7 = arith.mulf %get3A_6, %mul3A : vector<400x128xf32>
    %get3A_8 = arith.constant 0 : index
    %get3A_9 = arith.constant 0 : index
    %get3A_10 = arith.constant 0 : index
    %get3A_11 = vector.load %arg2[%get3A_8, %get3A_9, %get3A_10] : memref<1x400x128xf32, #tpu.memory_space<vmem>>, vector<1x400x128xf32>
    %get3A_12 = vector.shape_cast %get3A_11 : vector<1x400x128xf32> to vector<400x128xf32>
    %mul3A_13 = vector.broadcast %rsqrt3A : vector<400x1xf32> to vector<400x128xf32>
    %mul3A_14 = arith.mulf %get3A_12, %mul3A_13 : vector<400x128xf32>
    %swap3A = arith.constant 0 : index
    %swap3A_15 = arith.constant 0 : index
    %swap3A_16 = vector.load %arg6[%swap3A, %swap3A_15] : memref<400x128xf32, #tpu.memory_space<vmem>>, vector<400x128xf32>
    tpu.vector_store %arg6[%swap3A, %swap3A_15], %mul3A_7 {strides = array<i32>} : memref<400x128xf32, #tpu.memory_space<vmem>>, vector<400x128xf32>,
    %swap3A_17 = arith.constant 0 : index
    %swap3A_18 = arith.constant 0 : index
    %swap3A_19 = vector.load %arg7[%swap3A_17, %swap3A_18] : memref<400x128xf32, #tpu.memory_space<vmem>>, vector<400x128xf32>
    tpu.vector_store %arg7[%swap3A_17, %swap3A_18], %mul3A_14 {strides = array<i32>} : memref<400x128xf32, #tpu.memory_space<vmem>>, vector<400x128xf32>,
    %mul3A_20 = arith.constant 5.000000e-01 : f32
    %mul3A_21 = vector.broadcast %mul3A_20 : f32 to vector<400x128xf32>
    %mul3A_22 = arith.mulf %mul3A_21, %mul3A_14 : vector<400x128xf32>
    %exp3A = math.exp %mul3A_22 : vector<400x128xf32>
    %get3A_23 = arith.constant 0 : index
    %get3A_24 = arith.constant 0 : index
    %get3A_25 = vector.load %arg4[%get3A_23, %get3A_24] : memref<400x128xf32, #tpu.memory_space<vmem>>, vector<400x128xf32>
    %mul3A_26 = arith.mulf %exp3A, %get3A_25 : vector<400x128xf32>
    %add3A = arith.addf %mul3A_7, %mul3A_26 : vector<400x128xf32>
    %swap3A_27 = arith.constant 0 : index
    %swap3A_28 = arith.constant 0 : index
    %swap3A_29 = vector.load %arg5[%swap3A_27, %swap3A_28] : memref<400x128xf32, #tpu.memory_space<vmem>>, vector<400x128xf32>
    tpu.vector_store %arg5[%swap3A_27, %swap3A_28], %add3A {strides = array<i32>} : memref<400x128xf32, #tpu.memory_space<vmem>>, vector<400x128xf32>,
    return
  }
  func.func @transform_0(%arg0: i32) -> (i32, i32, i32) {
    %c0_i32 = arith.constant 0 : i32
    %c0_i32_0 = arith.constant 0 : i32
    %c0_i32_1 = arith.constant 0 : i32
    return %c0_i32, %arg0, %c0_i32_0 : i32, i32, i32
  }
  func.func @transform_1(%arg0: i32) -> (i32, i32, i32) {
    %c1_i32 = arith.constant 1 : i32
    %c0_i32 = arith.constant 0 : i32
    %c0_i32_0 = arith.constant 0 : i32
    return %c1_i32, %arg0, %c0_i32 : i32, i32, i32
  }
  func.func @transform_2(%arg0: i32) -> (i32, i32) {
    %c0_i32 = arith.constant 0 : i32
    %c0_i32_0 = arith.constant 0 : i32
    return %arg0, %c0_i32 : i32, i32
  }
  func.func @transform_3(%arg0: i32) -> (i32, i32) {
    %c0_i32 = arith.constant 0 : i32
    %c0_i32_0 = arith.constant 0 : i32
    return %arg0, %c0_i32 : i32, i32
  }
  func.func @transform_4(%arg0: i32) -> (i32, i32) {
    %c0_i32 = arith.constant 0 : i32
    %c0_i32_0 = arith.constant 0 : i32
    return %arg0, %c0_i32 : i32, i32
  }
  func.func @transform_5(%arg0: i32) -> (i32, i32) {
    %c0_i32 = arith.constant 0 : i32
    %c0_i32_0 = arith.constant 0 : i32
    return %arg0, %c0_i32 : i32, i32
  }
  func.func @transform_6(%arg0: i32) -> (i32, i32) {
    %c0_i32 = arith.constant 0 : i32
    %c0_i32_0 = arith.constant 0 : i32
    return %arg0, %c0_i32 : i32, i32
  }
}

</mosaic_0001>

<sc_bundles>
// kernel: kernel.6.cloned.1.call-start
scs
__scs_entry_jumppad:
0x0: {  	(pc) =	sbr.rel $0x88, $3  }
0x1: {  	(tag) =	ssettag $0x0;
	lr =	simm.s32 $0x1  }
0x2: {  	[smem:$0x3F9D] =	sst lr;
	_ =	strace $0xD0000000  }
0x3: {  	_ = 	snop  }
0x4: {  	_ = 	snop  }
0x5: {  	_ = 	snop  }
0x6: {  	_ = 	snop  }
0x7: {  	_ = 	snop  }
__scs_overlays_trampoline_lowered:
0x8: {  	[smem:$0x3FAC] =	sst s0  }
0x9: {  	[smem:$0x3FAD] =	sst s1  }
0xa: {  	[smem:$0x3FAE] =	sst s2  }
0xb: {  	[smem:$0x3FAF] =	sst s3  }
0xc: {  	[smem:$0x3FB0] =	sst s4  }
0xd: {  	[smem:$0x3FB1] =	sst s5  }
0xe: {  	[smem:$0x3FB2] =	sst s6  }
0xf: {  	[smem:$0x3FB3] =	sst s7  }
0x10: {  	[smem:$0x3FB4] =	sst s8  }
0x11: {  	[smem:$0x3FB5] =	sst s9;
	s0 =	simm.s32 @!p0 $0x0  }
0x12: {  	s1 =	sld [smem:$0x3F9B];
	s0 =	simm.s32 @p0 $0x1  }
0x13: {  	[smem:$0x3FB6] =	sst s0;
	s0 =	simm.s32 @!p1 $0x0  }
0x14: {  	s2 =	sld [smem:$0x3F9A];
	s0 =	simm.s32 @p1 $0x1  }
0x15: {  	[smem:$0x3FB7] =	sst s0;
	s0 =	simm.s32 @!p2 $0x0  }
0x16: {  	s3 =	sld [smem:$0x3FDB];
	s0 =	simm.s32 @p2 $0x1  }
0x17: {  	s4 =	simm.s32 $0x1BF5;
	[smem:$0x3FB9] =	sst s0  }
0x18: {  	s0 =	sld [smem:$0x3F9C];
	_ =	swait.ge [sflag:s4], $0x0  }
0x19: {  	s7 =	sld [smem:$0x3F9D]  }
0x1a: {  	s8 =	sadd.s32 $0xFFFFE003, lr  }
0x1b: {  	s9 =	sadd.s32 $0xFFFFFEF7, lr;
	s5 =	simm.s32 $0xFFFFFFFF;
	p2 =	slt.u32 s8, $0xFFFFF086  }
0x1c: {  	p1 =	slt.u32 s9, $0xF7A;
	s5 =	simm.s32 @!p2 $0x0  }
0x1d: {  	s5 =	simm.s32 @p1 $0x1;
	p0 =	seq.s32 s7, s2  }
0x1e: {  	s7 =	smul.u32 @!p0 $0xF7A, s2;
	p2 =	seq.s32 @!p0 s5, $0x0  }
0x1f: {  	s9 =	smul.u32 $0xF7A, s1;
	s8 =	simm.s32 @!p0 $0x1BF5;
	p2 =	por !p2, p0  }
0x20: {  	[sflag:s8] =	ssyncset.s32 @!p0 $0xFFFFF086;
	s6 =	sadd.s32 @!p0 s3, s7;
	s7 =	simm.s32 @!p0 $0x108  }
0x21: {  	s3 =	sadd.s32 s3, s9;
	s6 =	sadd.s32 @!p0 $0x88, s6;
	s7 =	simm.s32 @p2 $0x1082  }
0x22: {  	[simem:s7], [sflag:s8] =	dma.local @!p0 [hbm:s6], $0xF7A  }
0x23: {  	s9 =	sor.u32 $0xD0000000, s2;
	s6 =	simm.s32 $0x108;
	_ =	swait.ge @!p0 [sflag:s8], $0x0  }
0x24: {  	s3 =	sadd.s32 $0x88, s3;
	s6 =	simm.s32 @!p1 $0x1082;
	[sflag:s4] =	ssyncset.s32 $0xFFFFF086  }
0x25: {  	[simem:s6], [sflag:s4] =	dma.local [hbm:s3], $0xF7A  }
0x26: {  	[smem:$0x3F9D] =	sst s1;
	(tag) =	ssettag s2;
	_ =	strace s9  }
0x27: {  	s1 =	sld [smem:$0x3FAD]  }
0x28: {  	s2 =	sld [smem:$0x3FAE]  }
0x29: {  	s4 =	sld [smem:$0x3FB0]  }
0x2a: {  	p0 =	seq.s32 s5, $0x0;
	s5 =	sld [smem:$0x3FB1]  }
0x2b: {  	s6 =	sld [smem:$0x3FB2]  }
0x2c: {  	s7 =	sld [smem:$0x3FB3]  }
0x2d: {  	s3 =	simm.s32 $0x108;
	s8 =	sld [smem:$0x3FB4]  }
0x2e: {  	s3 =	simm.s32 @!p0 $0x1082;
	s9 =	sld [smem:$0x3FB5]  }
0x2f: {  	lr =	sadd.s32 s0, s3;
	s0 =	sld [smem:$0x3FAC]  }
0x30: {  	s3 =	sld [smem:$0x3FAF]  }
0x31: {  	[smem:$0x3FB8] =	sst s10  }
0x32: {  	s10 =	sld [smem:$0x3FB6];
	_ =	sdelay $0x3  }
0x33: {  	p0 =	seq.s32 s10, $0x1;
	s10 =	sld [smem:$0x3FB8];
	_ =	sdelay $0x3  }
0x34: {  	[smem:$0x3FB8] =	sst s10  }
0x35: {  	s10 =	sld [smem:$0x3FB7];
	_ =	sdelay $0x3  }
0x36: {  	p1 =	seq.s32 s10, $0x1;
	s10 =	sld [smem:$0x3FB8];
	_ =	sdelay $0x3  }
0x37: {  	[smem:$0x3FB8] =	sst s10  }
0x38: {  	s10 =	sld [smem:$0x3FB9]  }
0x39: {  	_ = 	snop;
	(pc) =	sbr.ind lr, $3  }
0x3a: {  	_ = 	snop  }
0x3b: {  	_ = 	snop  }
0x3c: {  	p2 =	seq.s32 s10, $0x1;
	s10 =	sld [smem:$0x3FB8]  }
0x3d: {  	_ =	shalt  }
0x3e: {  	_ =	shalt  }
0x3f: {  	_ =	shalt  }
0x40: {  	_ =	shalt  }
0x41: {  	_ =	shalt  }
0x42: {  	_ =	shalt  }
0x43: {  	_ =	shalt  }
0x44: {  	_ =	shalt  }
0x45: {  	_ =	shalt  }
0x46: {  	_ =	shalt  }
0x47: {  	_ =	shalt  }
0x48: {  	_ =	shalt  }
0x49: {  	_ =	shalt  }
0x4a: {  	_ =	shalt  }
0x4b: {  	_ =	shalt  }
0x4c: {  	_ =	shalt  }
0x4d: {  	_ =	shalt  }
0x4e: {  	_ =	shalt  }
0x4f: {  	_ =	shalt  }
0x50: {  	_ =	shalt  }
0x51: {  	_ =	shalt  }
0x52: {  	_ =	shalt  }
0x53: {  	_ =	shalt  }
0x54: {  	_ =	shalt  }
0x55: {  	_ =	shalt  }
0x56: {  	_ =	shalt  }
0x57: {  	_ =	shalt  }
0x58: {  	_ =	shalt  }
0x59: {  	_ =	shalt  }
0x5a: {  	_ =	shalt  }
0x5b: {  	_ =	shalt  }
0x5c: {  	_ =	shalt  }
0x5d: {  	_ =	shalt  }
0x5e: {  	_ =	shalt  }
0x5f: {  	_ =	shalt  }
0x60: {  	_ =	shalt  }
0x61: {  	_ =	shalt  }
0x62: {  	_ =	shalt  }
0x63: {  	_ =	shalt  }
0x64: {  	_ =	shalt  }
0x65: {  	_ =	shalt  }
0x66: {  	_ =	shalt  }
0x67: {  	_ =	shalt  }
0x68: {  	_ =	shalt  }
0x69: {  	_ =	shalt  }
0x6a: {  	_ =	shalt  }
0x6b: {  	_ =	shalt  }
0x6c: {  	_ =	shalt  }
0x6d: {  	_ =	shalt  }
0x6e: {  	_ =	shalt  }
0x6f: {  	_ =	shalt  }
0x70: {  	_ =	shalt  }
0x71: {  	_ =	shalt  }
0x72: {  	_ =	shalt  }
0x73: {  	_ =	shalt  }
0x74: {  	_ =	shalt  }
0x75: {  	_ =	shalt  }
0x76: {  	_ =	shalt  }
0x77: {  	_ =	shalt  }
0x78: {  	_ =	shalt  }
0x79: {  	_ =	shalt  }
0x7a: {  	_ =	shalt  }
0x7b: {  	_ =	shalt  }
0x7c: {  	_ =	shalt  }
0x7d: {  	_ =	shalt  }
0x7e: {  	_ =	shalt  }
0x7f: {  	_ =	shalt  }
0x80: {  	_ =	shalt  }
0x81: {  	_ =	shalt  }
0x82: {  	_ =	shalt  }
0x83: {  	_ =	shalt  }
0x84: {  	_ =	shalt  }
0x85: {  	_ =	shalt  }
0x86: {  	_ =	shalt  }
0x87: {  	_ =	shalt  }
.Lfunc_end0:
.L_simem_size_0:
called_computation_lowered:
.L_overlay_start_0:
0x88: {  	s2 =	sld [smem:$0x3FD9]  }
0x89: {  	s3 =	sld [smem:$0x3FFE];
	_ =	sdelay $0x1  }
0x8a: {  	s1 =	srdreg.scid  }
0x8b: {  	s0 =	sand.u32 $0x1, s1  }
0x8c: {  	s15 =	sshll.u32 s0, $0xA;
	s2 =	sadd.s32 s3, s2  }
0x8d: {  	s2 =	sadd.s32 s2, s15  }
0x8e: {  	[smem:$0x3FC4] =	sst s2  }
0x8f: {  	_ = 	snop  }
0x90: {  	s2 =	sld [smem:$0x3FD0];
	_ =	sdelay $0x2  }
0x91: {  	s16 =	simm.s32 $0xA;
	s4 =	simm.s32 $0x10  }
0x92: {  	[smem:s4], [sflag:s16] =	dma.local [hbm:s2], $0x1  }
0x93: {  	_ =	swait.eq [sflag:s16], $0x1  }
0x94: {  	[sflag:s16] =	ssyncset.done $0x0  }
0x95: {  	s17 =	sld [smem:$0x11];
	[sflag:s16] =	ssyncadd.s32 $0xFFFFFFFF  }
0x96: {  	s18 =	sld [smem:$0x12];
	(tm) =	ssettm $0x1  }
0x97: {  	s19 =	sld [smem:$0x3FFB];
	_ =	sdelay $0x3  }
0x98: {  	_ =	strace s19  }
0x99: {  	s4 =	sld [smem:$0x3FFC];
	_ =	sdelay $0x3  }
0x9a: {  	_ =	strace s4  }
0x9b: {  	s4 =	sld [smem:$0x3FFD];
	_ =	sdelay $0x3  }
0x9c: {  	_ =	strace s4  }
0x9d: {  	_ =	strace $0x8FFFFFFF  }
0x9e: {  	s20 =	sld [smem:$0x3FDB];
	_ =	sdelay $0x1  }
0x9f: {  	s5 =	simm.s32 $_scs_section_size  }
0xa0: {  	s6 =	simm.s32 $_size__tile_overlayer_lowered;
	s7 =	simm.s32 $_tile_overlayer_lowered  }
0xa1: {  	s23 =	simm.s32 $0x1BFF;
	s22 =	sshll.u32 s7, $0x1;
	s4 =	sadd.s32 s5, s20  }
0xa2: {  	s8 =	simm.s32 $0x0;
	s21 =	sshll.u32 s6, $0x1;
	s6 =	sadd.s32 s22, s4  }
0xa3: {  	[timem:s8], [sflag:s23] =	dma.local [hbm:s6], s21  }
0xa4: {  	_ =	swait.ge [sflag:s23], s21  }
0xa5: {  	s5 =	ssub.s32 $0x0, s21;
	[sflag:s23] =	ssyncset.done $0x0  }
0xa6: {  	[sflag:s23] =	ssyncadd.s32 s5;
	_ =	sdelay $0x1  }
0xa7: {  	s24 =	simm.s32 $0x1B8B  }
0xa8: {  	_ =	swait.ge [sflag:s24], $0x1  }
0xa9: {  	[sflag:s24] =	ssyncset.done $0x0  }
0xaa: {  	s25 =	simm.s32 $0x1B8E;
	[sflag:s24] =	ssyncadd.s32 $0xFFFFFFFF  }
0xab: {  	s26 =	simm.s32 $execute0_lowered;
	[smem:$0x3FD2] =	sst s25  }
0xac: {  	s5 =	sshll.u32 s26, $0x1;
	_ =	strace $0x80000046;
	[dreg:$0x1] =	wrdreg $0xFFFFFFFF  }
0xad: {  	s28 =	simm.s32 $_size_execute0_lowered;
	s4 =	sadd.s32 s4, s5;
	[dreg:$0x0] =	wrdreg $0x0  }
0xae: {  	s5 =	sshll.u32 s28, $0x1;
	[dreg:$0x2] =	wrdreg s4  }
0xaf: {  	[dreg:$0x3] =	wrdreg s5  }
0xb0: {  	[dreg:$0x4] =	wrdreg $0xC0  }
0xb1: {  	_ =	task [dreg:s8], $0x5FFFF  }
0xb2: {  	[dreg:$0x1] =	wrdreg $0xFFFFFFFF  }
0xb3: {  	[dreg:$0x0] =	wrdreg $0x60  }
0xb4: {  	[dreg:$0x2] =	wrdreg s18  }
0xb5: {  	[dreg:$0x3] =	wrdreg s17  }
0xb6: {  	[dreg:$0x4] =	wrdreg $0x9  }
0xb7: {  	_ =	task.clear_ibuf [dreg:s8], $0x5FFFF;
	_ =	strace $0x90000046  }
0xb8: {  	s29 =	simm.s32 $0x9;
	_ =	strace $0x80000048  }
0xb9: {  	_ =	swait.ge [sflag:s29], $0x1  }
0xba: {  	[sflag:s29] =	ssyncadd.s32 $0xFFFFFFFF  }
0xbb: {  	_ =	strace $0x90000048  }
0xbc: {  	_ =	sfence  }
0xbd: {  	s30 =	sld [smem:$0x0];
	_ =	sdelay $0x2  }
0xbe: {  	s31 =	sshll.u32 s1, $0xD;
	s1 =	sshrl.u32 s1, $0x2  }
0xbf: {  	s3 =	sand.u32 $0x4000, s31;
	s1 =	sadd.s32 s1, s30  }
0xc0: {  	s0 =	sor.u32 s3, s0;
	s1 =	sshll.u32 s1, $0x11  }
0xc1: {  	s0 =	sor.u32 s1, s0  }
0xc2: {  	s0 =	sadd.s32 $0x8F2B, s0  }
0xc3: {  	[sflag:s0] =	ssyncadd.remote.s32 $0x1  }
0xc4: {  	_ =	sfence.sel $0xFFFF  }
0xc5: {  	[dreg:$0x0] =	wrdreg $0xFFFFFFFF;
	(pc) =	sbr.abs _section_cstart, $3  }
0xc6: {  	[dreg:$0x1] =	wrdreg $0xFFFFFFFF  }
0xc7: {  	_ =	task.clear_ibuf [dreg:s8], $0x2FFFF;
	_ =	strace $0x9FFFFFFF  }
0xc8: {  	(tm) =	ssettm $0x7FFFFFFF  }
0xc9: {  	_ =	shalt  }
tec
execute0_lowered:
.L_overlay_start_1:
0x0: {  	(tag) =	ssettag $0x1  }
0x1: {  	s3 =	rddreg [dreg:$0x0];
	s1 =	srdreg.scid  }
0x2: {  	s0 =	stileid.u32;
	s4 =	rddreg [dreg:$0x1];
	s9 =	simm.s32 $0x400  }
0x3: {  	s10 =	simm.s32 $0x0;
	s5 =	sand.u32 $0x1, s1;
	s2 =	sshll.u32 s0, $0x1  }
0x4: {  	s1 =	rddreg [dreg:$0x2];
	s7 =	sshrl.u32 s0, $0x2;
	s6 =	sor.u32 s5, s2  }
0x5: {  	s2 =	simm.s32 $0x0;
	s7 =	smul.u32 $0x14000, s7;
	s5 =	ssub.s32 $0x2, s5  }
0x6: {  	s8 =	sshll.u32 s6, $0x7;
	[smem:$0x7FF] =	sst s2;
	s6 =	smul.u32 $0x500, s6  }
0x7: {  	s31 =	sshrl.u32 s5, $0x1;
	s8 =	sand.u32 $0x380, s8;
	_ =	strace $0x80000047  }
0x8: {  	s5 =	ssub.s32 s5, s31;
	s7 =	sor.u32 s7, s8;
	s3 =	sadd.s32 s3, s6  }
0x9: {  	s5 =	smax.u32 s5, $0x1;
	s6 =	simm.s32 $0x1;
	s7 =	sshrl.u32 s7, $0x3  }
0xa: {  	v0 =	vimm.f32 $0.0e+00;
	v1 =	vimm.f32 $1.000000000e+00;
	s8 =	simm.s32 $0x80;
	s4 =	sadd.s32 s4, s7;
	s7 =	simm.s32 $0x2800  }
.LBB2_1:
0xb: {  	[tilespmem:s2], [sflag:$0x1] =	stream.linear.gather [hbm4b:s3+s2], $0x2800, $0x38;
	[tilespmem:$0x5000] =	vst v63  }
0xc: {  	_ =	swait.ge [sflag:s6], $0x2800  }
0xd: {  	[sflag:s6] =	ssyncset.done $0x0  }
0xe: {  	s11 =	simm.s32 $0x0;
	[sflag:s6] =	ssyncadd.s32 $0xFFFFD800  }
.LBB2_2:
0xf: {  	p0 =	sne.s32 s11, $0x9FC0  }
.Ltmp0:
0x10: {  	_ = 	snop;
	(pc) =	sbr.rel @p0 .LBB2_2-.Ltmp0, $3  }
0x11: {  	_ =	sdelay $0x1  }
0x12: {  	s12 =	sshra.s32 s11, $0x2  }
0x13: {  	s11 =	sadd.s32 $0x40, s11;
	[tilespmem:s12+$0x2800] =	vst v0  }
0x14: {  	s11 =	simm.s32 $0x0  }
.LBB2_4:
0x15: {  	s12 =	sshra.s32 s11, $0x2  }
0x16: {  	v2 =	vld [tilespmem:s12+$0x0];
	_ =	sdelay $0x7  }
0x17: {  	[tilespmem:v2+s7+$0x0] =	vst.idx.add.f32.msk $0xffff, v1  }
0x18: {  	v2 =	vld [tilespmem:s12+$0x10];
	_ =	sdelay $0x7  }
0x19: {  	[tilespmem:v2+s7+$0x0] =	vst.idx.add.f32.msk $0xffff, v1  }
0x1a: {  	v2 =	vld [tilespmem:s12+$0x20];
	_ =	sdelay $0x7  }
0x1b: {  	[tilespmem:v2+s7+$0x0] =	vst.idx.add.f32.msk $0xffff, v1  }
0x1c: {  	v2 =	vld [tilespmem:s12+$0x30];
	_ =	sdelay $0x7  }
0x1d: {  	[tilespmem:v2+s7+$0x0] =	vst.idx.add.f32.msk $0xffff, v1  }
0x1e: {  	v2 =	vld [tilespmem:s12+$0x40];
	_ =	sdelay $0x7  }
0x1f: {  	[tilespmem:v2+s7+$0x0] =	vst.idx.add.f32.msk $0xffff, v1  }
0x20: {  	v2 =	vld [tilespmem:s12+$0x50];
	_ =	sdelay $0x7  }
0x21: {  	[tilespmem:v2+s7+$0x0] =	vst.idx.add.f32.msk $0xffff, v1  }
0x22: {  	v2 =	vld [tilespmem:s12+$0x60];
	_ =	sdelay $0x7  }
0x23: {  	[tilespmem:v2+s7+$0x0] =	vst.idx.add.f32.msk $0xffff, v1  }
0x24: {  	v2 =	vld [tilespmem:s12+$0x70];
	_ =	sdelay $0x2  }
0x25: {  	p0 =	sne.s32 s11, $0x9E00  }
.Ltmp1:
0x26: {  	_ = 	snop;
	(pc) =	sbr.rel @p0 .LBB2_4-.Ltmp1, $2  }
0x27: {  	_ =	sdelay $0x2  }
0x28: {  	s11 =	sadd.s32 $0x200, s11;
	[tilespmem:v2+s7+$0x0] =	vst.idx.add.f32.msk $0xffff, v1  }
0x29: {  	s10 =	sadd.s32 $0x1, s10  }
0x2a: {  	p0 =	sne.s32 s10, s5  }
.Ltmp2:
0x2b: {  	_ = 	snop;
	(pc) =	sbr.rel @p0 .LBB2_1-.Ltmp2, $4  }
0x2c: {  	[hbm4b:s4+s8] =	stream.strided.scatter [tilespmem:s7], [sflag:$0x1], $0x2800, s9, s8, $0x38;
	[tilespmem:$0x5000] =	vst v63  }
0x2d: {  	_ =	swait.ge [sflag:s6], $0x2800  }
0x2e: {  	[sflag:s6] =	ssyncset.done $0x0  }
0x2f: {  	[sflag:s6] =	ssyncadd.s32 $0xFFFFD800  }
0x30: {  	_ =	sfence.sel $0x180000  }
0x31: {  	[bflag:$0x0] =	sbarrier.arrive $0xFFFF  }
0x32: {  	p0 =	sne.s32 s0, $0x0;
	_ =	strace $0x90000047  }
0x33: {  	s0 =	sadd.s32 @!p0 $0x100000, s1;
	[bflag:$0x2] =	sbarrier.arrive $0xFFFF  }
0x34: {  	[sflag:s0] =	ssyncadd.tile.s32 @!p0 $0x1;
	_ =	shalt  }
.Lfunc_end2:
_tile_overlayer_lowered:
.L_overlay_start_2:
0x35: {  	(tag) =	ssettag $0x2  }
0x36: {  	s0 =	rddreg [dreg:$0x0];
	s2 =	stileid.u32  }
0x37: {  	s1 =	rddreg [dreg:$0x1];
	p0 =	sne.s32 s2, $0x0  }
0x38: {  	s3 =	rddreg [dreg:$0x2];
	[bflag:$0x3] =	sbarrier.arrive $0xFFFF;
	s2 =	simm.s32 @!p0 $0x1C01  }
0x39: {  	[timem:s3], [sflag:s2] =	dma.local @!p0 [hbm:s0], s1  }
0x3a: {  	s0 =	simm.s32 @!p0 $0x1  }
0x3b: {  	_ =	swait.ge @!p0 [sflag:s0], s1  }
0x3c: {  	s1 =	ssub.s32 @!p0 $0x0, s1;
	[sflag:s0] =	ssyncset.done @!p0 $0x0  }
0x3d: {  	[sflag:s0] =	ssyncadd.s32 @!p0 s1  }
0x3e: {  	[bflag:$0x3] =	sbarrier.arrive $0xFFFF  }
0x3f: {  	_ =	shalt  }

// kernel: kernel.9.cloned.1.call-start
scs
__scs_entry_jumppad:
0x0: {  	(pc) =	sbr.rel $0x88, $3  }
0x1: {  	(tag) =	ssettag $0x0;
	lr =	simm.s32 $0x1  }
0x2: {  	[smem:$0x3F9D] =	sst lr;
	_ =	strace $0xD0000000  }
0x3: {  	_ = 	snop  }
0x4: {  	_ = 	snop  }
0x5: {  	_ = 	snop  }
0x6: {  	_ = 	snop  }
0x7: {  	_ = 	snop  }
__scs_overlays_trampoline_lowered:
0x8: {  	[smem:$0x3FAC] =	sst s0  }
0x9: {  	[smem:$0x3FAD] =	sst s1  }
0xa: {  	[smem:$0x3FAE] =	sst s2  }
0xb: {  	[smem:$0x3FAF] =	sst s3  }
0xc: {  	[smem:$0x3FB0] =	sst s4  }
0xd: {  	[smem:$0x3FB1] =	sst s5  }
0xe: {  	[smem:$0x3FB2] =	sst s6  }
0xf: {  	[smem:$0x3FB3] =	sst s7  }
0x10: {  	[smem:$0x3FB4] =	sst s8  }
0x11: {  	[smem:$0x3FB5] =	sst s9;
	s0 =	simm.s32 @!p0 $0x0  }
0x12: {  	s1 =	sld [smem:$0x3F9B];
	s0 =	simm.s32 @p0 $0x1  }
0x13: {  	[smem:$0x3FB6] =	sst s0;
	s0 =	simm.s32 @!p1 $0x0  }
0x14: {  	s2 =	sld [smem:$0x3F9A];
	s0 =	simm.s32 @p1 $0x1  }
0x15: {  	[smem:$0x3FB7] =	sst s0;
	s0 =	simm.s32 @!p2 $0x0  }
0x16: {  	s3 =	sld [smem:$0x3FDB];
	s0 =	simm.s32 @p2 $0x1  }
0x17: {  	s4 =	simm.s32 $0x1BF5;
	[smem:$0x3FB9] =	sst s0  }
0x18: {  	s0 =	sld [smem:$0x3F9C];
	_ =	swait.ge [sflag:s4], $0x0  }
0x19: {  	s7 =	sld [smem:$0x3F9D]  }
0x1a: {  	s8 =	sadd.s32 $0xFFFFE003, lr  }
0x1b: {  	s9 =	sadd.s32 $0xFFFFFEF7, lr;
	s5 =	simm.s32 $0xFFFFFFFF;
	p2 =	slt.u32 s8, $0xFFFFF086  }
0x1c: {  	p1 =	slt.u32 s9, $0xF7A;
	s5 =	simm.s32 @!p2 $0x0  }
0x1d: {  	s5 =	simm.s32 @p1 $0x1;
	p0 =	seq.s32 s7, s2  }
0x1e: {  	s7 =	smul.u32 @!p0 $0xF7A, s2;
	p2 =	seq.s32 @!p0 s5, $0x0  }
0x1f: {  	s9 =	smul.u32 $0xF7A, s1;
	s8 =	simm.s32 @!p0 $0x1BF5;
	p2 =	por !p2, p0  }
0x20: {  	[sflag:s8] =	ssyncset.s32 @!p0 $0xFFFFF086;
	s6 =	sadd.s32 @!p0 s3, s7;
	s7 =	simm.s32 @!p0 $0x108  }
0x21: {  	s3 =	sadd.s32 s3, s9;
	s6 =	sadd.s32 @!p0 $0x88, s6;
	s7 =	simm.s32 @p2 $0x1082  }
0x22: {  	[simem:s7], [sflag:s8] =	dma.local @!p0 [hbm:s6], $0xF7A  }
0x23: {  	s9 =	sor.u32 $0xD0000000, s2;
	s6 =	simm.s32 $0x108;
	_ =	swait.ge @!p0 [sflag:s8], $0x0  }
0x24: {  	s3 =	sadd.s32 $0x88, s3;
	s6 =	simm.s32 @!p1 $0x1082;
	[sflag:s4] =	ssyncset.s32 $0xFFFFF086  }
0x25: {  	[simem:s6], [sflag:s4] =	dma.local [hbm:s3], $0xF7A  }
0x26: {  	[smem:$0x3F9D] =	sst s1;
	(tag) =	ssettag s2;
	_ =	strace s9  }
0x27: {  	s1 =	sld [smem:$0x3FAD]  }
0x28: {  	s2 =	sld [smem:$0x3FAE]  }
0x29: {  	s4 =	sld [smem:$0x3FB0]  }
0x2a: {  	p0 =	seq.s32 s5, $0x0;
	s5 =	sld [smem:$0x3FB1]  }
0x2b: {  	s6 =	sld [smem:$0x3FB2]  }
0x2c: {  	s7 =	sld [smem:$0x3FB3]  }
0x2d: {  	s3 =	simm.s32 $0x108;
	s8 =	sld [smem:$0x3FB4]  }
0x2e: {  	s3 =	simm.s32 @!p0 $0x1082;
	s9 =	sld [smem:$0x3FB5]  }
0x2f: {  	lr =	sadd.s32 s0, s3;
	s0 =	sld [smem:$0x3FAC]  }
0x30: {  	s3 =	sld [smem:$0x3FAF]  }
0x31: {  	[smem:$0x3FB8] =	sst s10  }
0x32: {  	s10 =	sld [smem:$0x3FB6];
	_ =	sdelay $0x3  }
0x33: {  	p0 =	seq.s32 s10, $0x1;
	s10 =	sld [smem:$0x3FB8];
	_ =	sdelay $0x3  }
0x34: {  	[smem:$0x3FB8] =	sst s10  }
0x35: {  	s10 =	sld [smem:$0x3FB7];
	_ =	sdelay $0x3  }
0x36: {  	p1 =	seq.s32 s10, $0x1;
	s10 =	sld [smem:$0x3FB8];
	_ =	sdelay $0x3  }
0x37: {  	[smem:$0x3FB8] =	sst s10  }
0x38: {  	s10 =	sld [smem:$0x3FB9]  }
0x39: {  	_ = 	snop;
	(pc) =	sbr.ind lr, $3  }
0x3a: {  	_ = 	snop  }
0x3b: {  	_ = 	snop  }
0x3c: {  	p2 =	seq.s32 s10, $0x1;
	s10 =	sld [smem:$0x3FB8]  }
0x3d: {  	_ =	shalt  }
0x3e: {  	_ =	shalt  }
0x3f: {  	_ =	shalt  }
0x40: {  	_ =	shalt  }
0x41: {  	_ =	shalt  }
0x42: {  	_ =	shalt  }
0x43: {  	_ =	shalt  }
0x44: {  	_ =	shalt  }
0x45: {  	_ =	shalt  }
0x46: {  	_ =	shalt  }
0x47: {  	_ =	shalt  }
0x48: {  	_ =	shalt  }
0x49: {  	_ =	shalt  }
0x4a: {  	_ =	shalt  }
0x4b: {  	_ =	shalt  }
0x4c: {  	_ =	shalt  }
0x4d: {  	_ =	shalt  }
0x4e: {  	_ =	shalt  }
0x4f: {  	_ =	shalt  }
0x50: {  	_ =	shalt  }
0x51: {  	_ =	shalt  }
0x52: {  	_ =	shalt  }
0x53: {  	_ =	shalt  }
0x54: {  	_ =	shalt  }
0x55: {  	_ =	shalt  }
0x56: {  	_ =	shalt  }
0x57: {  	_ =	shalt  }
0x58: {  	_ =	shalt  }
0x59: {  	_ =	shalt  }
0x5a: {  	_ =	shalt  }
0x5b: {  	_ =	shalt  }
0x5c: {  	_ =	shalt  }
0x5d: {  	_ =	shalt  }
0x5e: {  	_ =	shalt  }
0x5f: {  	_ =	shalt  }
0x60: {  	_ =	shalt  }
0x61: {  	_ =	shalt  }
0x62: {  	_ =	shalt  }
0x63: {  	_ =	shalt  }
0x64: {  	_ =	shalt  }
0x65: {  	_ =	shalt  }
0x66: {  	_ =	shalt  }
0x67: {  	_ =	shalt  }
0x68: {  	_ =	shalt  }
0x69: {  	_ =	shalt  }
0x6a: {  	_ =	shalt  }
0x6b: {  	_ =	shalt  }
0x6c: {  	_ =	shalt  }
0x6d: {  	_ =	shalt  }
0x6e: {  	_ =	shalt  }
0x6f: {  	_ =	shalt  }
0x70: {  	_ =	shalt  }
0x71: {  	_ =	shalt  }
0x72: {  	_ =	shalt  }
0x73: {  	_ =	shalt  }
0x74: {  	_ =	shalt  }
0x75: {  	_ =	shalt  }
0x76: {  	_ =	shalt  }
0x77: {  	_ =	shalt  }
0x78: {  	_ =	shalt  }
0x79: {  	_ =	shalt  }
0x7a: {  	_ =	shalt  }
0x7b: {  	_ =	shalt  }
0x7c: {  	_ =	shalt  }
0x7d: {  	_ =	shalt  }
0x7e: {  	_ =	shalt  }
0x7f: {  	_ =	shalt  }
0x80: {  	_ =	shalt  }
0x81: {  	_ =	shalt  }
0x82: {  	_ =	shalt  }
0x83: {  	_ =	shalt  }
0x84: {  	_ =	shalt  }
0x85: {  	_ =	shalt  }
0x86: {  	_ =	shalt  }
0x87: {  	_ =	shalt  }
.Lfunc_end0:
.L_simem_size_0:
called_computation.1_lowered:
.L_overlay_start_0:
0x88: {  	s2 =	sld [smem:$0x3FD9]  }
0x89: {  	s3 =	sld [smem:$0x3FFE];
	_ =	sdelay $0x1  }
0x8a: {  	s1 =	srdreg.scid  }
0x8b: {  	s0 =	sand.u32 $0x1, s1  }
0x8c: {  	s16 =	sshll.u32 s0, $0xA;
	s2 =	sadd.s32 s3, s2  }
0x8d: {  	s2 =	sadd.s32 s2, s16  }
0x8e: {  	[smem:$0x3FC4] =	sst s2  }
0x8f: {  	_ = 	snop  }
0x90: {  	(tm) =	ssettm $0x1  }
0x91: {  	s17 =	sld [smem:$0x3FFB];
	_ =	sdelay $0x3  }
0x92: {  	_ =	strace s17  }
0x93: {  	s2 =	sld [smem:$0x3FFC];
	_ =	sdelay $0x3  }
0x94: {  	_ =	strace s2  }
0x95: {  	s2 =	sld [smem:$0x3FFD];
	_ =	sdelay $0x3  }
0x96: {  	_ =	strace s2  }
0x97: {  	_ =	strace $0x8FFFFFFF  }
0x98: {  	s18 =	sld [smem:$0x3FDB];
	_ =	sdelay $0x1  }
0x99: {  	s19 =	simm.s32 $_scs_section_size  }
0x9a: {  	s4 =	simm.s32 $_size__tile_overlayer_lowered;
	s5 =	simm.s32 $_tile_overlayer_lowered  }
0x9b: {  	s22 =	simm.s32 $0x1BFF;
	s21 =	sshll.u32 s5, $0x1;
	s2 =	sadd.s32 s19, s18  }
0x9c: {  	s6 =	simm.s32 $0x0;
	s20 =	sshll.u32 s4, $0x1;
	s4 =	sadd.s32 s21, s2  }
0x9d: {  	[timem:s6], [sflag:s22] =	dma.local [hbm:s4], s20  }
0x9e: {  	_ =	swait.ge [sflag:s22], s20  }
0x9f: {  	s3 =	ssub.s32 $0x0, s20;
	[sflag:s22] =	ssyncset.done $0x0  }
0xa0: {  	[sflag:s22] =	ssyncadd.s32 s3;
	_ =	sdelay $0x1  }
0xa1: {  	s23 =	simm.s32 $0x1B8B  }
0xa2: {  	_ =	swait.ge [sflag:s23], $0x1  }
0xa3: {  	[sflag:s23] =	ssyncset.done $0x0  }
0xa4: {  	s25 =	simm.s32 $0x1B8E;
	s24 =	sld [smem:$0x3FFE];
	[sflag:s23] =	ssyncadd.s32 $0xFFFFFFFF  }
0xa5: {  	s26 =	simm.s32 $execute0_lowered;
	[smem:$0x3FD2] =	sst s25  }
0xa6: {  	s4 =	sshll.u32 s26, $0x1;
	_ =	strace $0x80000049;
	[dreg:$0x1] =	wrdreg $0xFFFFFFFF  }
0xa7: {  	s28 =	simm.s32 $_size_execute0_lowered;
	s2 =	sadd.s32 s2, s4;
	[dreg:$0x0] =	wrdreg $0x0  }
0xa8: {  	s4 =	sshll.u32 s28, $0x1;
	[dreg:$0x2] =	wrdreg s2  }
0xa9: {  	[dreg:$0x3] =	wrdreg s4  }
0xaa: {  	[dreg:$0x4] =	wrdreg $0xC0  }
0xab: {  	_ =	task [dreg:s6], $0x5FFFF  }
0xac: {  	[dreg:$0x1] =	wrdreg $0xFFFFFFFF  }
0xad: {  	[dreg:$0x0] =	wrdreg $0x60  }
0xae: {  	[dreg:$0x2] =	wrdreg s24  }
0xaf: {  	[dreg:$0x3] =	wrdreg $0x84000  }
0xb0: {  	[dreg:$0x4] =	wrdreg $0x9  }
0xb1: {  	_ =	task.clear_ibuf [dreg:s6], $0x5FFFF;
	_ =	strace $0x90000049  }
0xb2: {  	s29 =	simm.s32 $0x9;
	_ =	strace $0x8000004B  }
0xb3: {  	_ =	swait.ge [sflag:s29], $0x1  }
0xb4: {  	[sflag:s29] =	ssyncadd.s32 $0xFFFFFFFF  }
0xb5: {  	_ =	strace $0x9000004B  }
0xb6: {  	_ =	sfence  }
0xb7: {  	s30 =	sld [smem:$0x0];
	_ =	sdelay $0x2  }
0xb8: {  	s31 =	sshll.u32 s1, $0xD;
	s1 =	sshrl.u32 s1, $0x2  }
0xb9: {  	s3 =	sand.u32 $0x4000, s31;
	s1 =	sadd.s32 s1, s30  }
0xba: {  	s0 =	sor.u32 s3, s0;
	s1 =	sshll.u32 s1, $0x11  }
0xbb: {  	s0 =	sor.u32 s1, s0  }
0xbc: {  	s0 =	sadd.s32 $0x8F2B, s0  }
0xbd: {  	[sflag:s0] =	ssyncadd.remote.s32 $0x1  }
0xbe: {  	_ =	sfence.sel $0xFFFF  }
0xbf: {  	[dreg:$0x0] =	wrdreg $0xFFFFFFFF;
	(pc) =	sbr.abs _section_cstart, $3  }
0xc0: {  	[dreg:$0x1] =	wrdreg $0xFFFFFFFF  }
0xc1: {  	_ =	task.clear_ibuf [dreg:s6], $0x2FFFF;
	_ =	strace $0x9FFFFFFF  }
0xc2: {  	(tm) =	ssettm $0x7FFFFFFF  }
0xc3: {  	_ =	shalt  }
tec
execute0_lowered:
.L_overlay_start_1:
0x0: {  	(tag) =	ssettag $0x1  }
0x1: {  	s0 =	rddreg [dreg:$0x0]  }
0x2: {  	s1 =	rddreg [dreg:$0x1]  }
0x3: {  	s2 =	srdreg.scid;
	s16 =	stileid.u32  }
0x4: {  	s3 =	simm.s32 $0x0;
	s30 =	simm.s32 $0x400;
	s6 =	smul.u32 $0xA000, s16  }
0x5: {  	s31 =	simm.s32 $0x7;
	s5 =	sand.u32 $0x1, s2;
	s12 =	smul.u32 $0x14000, s16  }
0x6: {  	[smem:$0x7FF] =	sst s3;
	s4 =	sadd.s32 $0x29A00, s0;
	s2 =	smul.u32 $0xA0000, s5  }
0x7: {  	s7 =	sadd.s32 $0x1A00, s0;
	s8 =	sadd.s32 $0x79A00, s0;
	s0 =	smul.u32 $0x2800, s5  }
0x8: {  	_ =	strace $0x8000004A;
	s9 =	ssub.s32 $0x2, s5;
	s13 =	smul.u32 $0x140000, s5  }
0x9: {  	s24 =	sshrl.u32 s9, $0x1;
	s5 =	sadd.s32 $0x4000, s12;
	s6 =	sadd.s32 s6, s2  }
0xa: {  	s9 =	ssub.s32 s9, s24;
	s2 =	smul.u32 $0x280, s16;
	s15 =	sadd.s32 s13, s12  }
0xb: {  	s18 =	sadd.s32 s13, s5;
	s10 =	sshrl.u32 s6, $0x3;
	s25 =	sor.u32 $0x100, s6  }
0xc: {  	s11 =	sor.u32 $0x200, s6;
	s14 =	smax.u32 s9, $0x1;
	s9 =	sshrl.u32 s15, $0x3  }
0xd: {  	s19 =	sshrl.u32 s18, $0x3;
	s23 =	sor.u32 $0x600, s6;
	s18 =	simm.s32 $0x180  }
0xe: {  	s10 =	sadd.s32 s7, s10;
	s11 =	sshrl.u32 s11, $0x3;
	[dreg:$0xc] =	wrdreg s14  }
0xf: {  	s17 =	sadd.s32 s0, s2;
	s9 =	sadd.s32 s8, s9;
	[dreg:$0x7] =	wrdreg s18  }
0x10: {  	s14 =	sadd.s32 $0xC000, s12;
	s24 =	sshrl.u32 s23, $0x3;
	[dreg:$0x8] =	wrdreg s10  }
0x11: {  	s23 =	sadd.s32 $0x180, s2;
	s10 =	sshrl.u32 s25, $0x3;
	[dreg:$0xd] =	wrdreg s9  }
0x12: {  	s9 =	sadd.s32 s8, s19;
	s15 =	sadd.s32 s13, s14;
	s25 =	sor.u32 $0x500, s6  }
0x13: {  	s19 =	sadd.s32 $0x100, s2;
	s26 =	sadd.s32 s7, s10;
	[dreg:$0xe] =	wrdreg s9  }
0x14: {  	s28 =	sadd.s32 s14, s1;
	s10 =	sadd.s32 s7, s11;
	[dreg:$0x9] =	wrdreg s26  }
0x15: {  	s14 =	simm.s32 $0x380;
	s11 =	sadd.s32 s12, s1;
	[dreg:$0xa] =	wrdreg s10  }
0x16: {  	s21 =	sshrl.u32 s15, $0x3;
	[dreg:$0xb] =	wrdreg s11;
	s11 =	sadd.s32 $0x8000, s12  }
0x17: {  	s12 =	sadd.s32 $0x10000, s12;
	s10 =	sshll.u32 s17, $0x4;
	s26 =	smul.u32 $0x50000, s16  }
0x18: {  	s16 =	sadd.s32 $0x80, s2;
	s2 =	sadd.s32 $0x200, s2;
	s20 =	sadd.s32 s13, s11  }
0x19: {  	s13 =	sadd.s32 s13, s12;
	s10 =	sadd.s32 s4, s10;
	s17 =	sadd.s32 s0, s16  }
0x1a: {  	s29 =	sadd.s32 s12, s1;
	s12 =	simm.s32 $0x2;
	s9 =	sshrl.u32 s20, $0x3  }
0x1b: {  	s22 =	sshrl.u32 s13, $0x3;
	[dreg:$0x12] =	wrdreg s10;
	s13 =	sor.u32 $0x400, s6  }
0x1c: {  	s6 =	sor.u32 $0x300, s6;
	s20 =	sshll.u32 s16, $0x7;
	s9 =	sadd.s32 s8, s9  }
0x1d: {  	s10 =	simm.s32 $0x1;
	[dreg:$0xf] =	wrdreg s9;
	s9 =	sadd.s32 s8, s21  }
0x1e: {  	s6 =	sshrl.u32 s6, $0x3;
	s8 =	sadd.s32 s8, s22;
	[dreg:$0x10] =	wrdreg s9  }
0x1f: {  	s6 =	sadd.s32 s6, s7;
	s21 =	sadd.s32 s0, s19;
	[dreg:$0x11] =	wrdreg s8  }
0x20: {  	s8 =	sadd.s32 s24, s7;
	s9 =	sshrl.u32 s25, $0x3;
	[dreg:$0x6] =	wrdreg s6  }
0x21: {  	s22 =	sshll.u32 s21, $0x4;
	s6 =	sshll.u32 s19, $0x7;
	s24 =	sadd.s32 s0, s23  }
0x22: {  	s0 =	sadd.s32 s0, s2;
	s2 =	sshll.u32 s2, $0x7;
	[dreg:$0x3] =	wrdreg s8  }
0x23: {  	s9 =	sadd.s32 s9, s7;
	s8 =	sshrl.u32 s26, $0x2;
	s6 =	sadd.s32 s6, s1  }
0x24: {  	s25 =	sshll.u32 s24, $0x4;
	s26 =	sshll.u32 s23, $0x7;
	s0 =	sshll.u32 s0, $0x4  }
0x25: {  	s24 =	sadd.s32 s2, s1;
	s2 =	simm.s32 $0x200;
	[dreg:$0x4] =	wrdreg s9  }
0x26: {  	s9 =	sshrl.u32 s13, $0x3;
	s8 =	sadd.s32 s8, s1;
	[dreg:$0x17] =	wrdreg s6  }
0x27: {  	s6 =	sadd.s32 s4, s25;
	s0 =	sadd.s32 s4, s0;
	s25 =	sadd.s32 s5, s1  }
0x28: {  	s5 =	simm.s32 $0x3;
	s13 =	simm.s32 $0x6;
	[dreg:$0x13] =	wrdreg s8  }
0x29: {  	s15 =	sadd.s32 s9, s7;
	s7 =	sshll.u32 s17, $0x4;
	[dreg:$0x18] =	wrdreg s6  }
0x2a: {  	s6 =	sadd.s32 s26, s1;
	[dreg:$0x1a] =	wrdreg s0;
	s26 =	sadd.s32 s11, s1  }
0x2b: {  	s0 =	simm.s32 $0x100;
	s8 =	simm.s32 $0x4400;
	[dreg:$0x5] =	wrdreg s15  }
0x2c: {  	s9 =	simm.s32 $0x300;
	s7 =	sadd.s32 s4, s7;
	[dreg:$0x19] =	wrdreg s6  }
0x2d: {  	s11 =	simm.s32 $0x5;
	[dreg:$0x14] =	wrdreg s7;
	s7 =	sadd.s32 s20, s1  }
0x2e: {  	s6 =	simm.s32 $0x80;
	[dreg:$0x15] =	wrdreg s7;
	s7 =	sadd.s32 s4, s22  }
0x2f: {  	s15 =	simm.s32 $0x0;
	[dreg:$0x16] =	wrdreg s7;
	s7 =	simm.s32 $0x4  }
.LBB2_1:
0x30: {  	s16 =	rddreg [dreg:$0x12]  }
0x31: {  	[tilespmem:s30], [sflag:$0x7] =	stream.linear.gather [hbm4b:s16+s3], $0x4000, $0x38;
	[tilespmem:$0x1C400] =	vst v63  }
0x32: {  	_ =	swait.ge [sflag:s31], $0x4000  }
0x33: {  	[sflag:s31] =	ssyncset.done $0x0  }
0x34: {  	s18 =	rddreg [dreg:$0x13];
	[sflag:s31] =	ssyncadd.s32 $0xFFFFC000  }
0x35: {  	[spmem:s18] =	stream.linear.scatter [tilespmem:s30], [sflag:$0x7], $0x4000, $0x38;
	[tilespmem:$0x1C400] =	vst v63  }
0x36: {  	_ =	swait.ge [sflag:s31], $0x4000  }
0x37: {  	[sflag:s31] =	ssyncset.done $0x0  }
0x38: {  	s19 =	rddreg [dreg:$0x14];
	[sflag:s31] =	ssyncadd.s32 $0xFFFFC000  }
0x39: {  	[tilespmem:s30], [sflag:$0x7] =	stream.linear.gather [hbm4b:s19+s3], $0x4000, $0x38;
	[tilespmem:$0x1C400] =	vst v63  }
0x3a: {  	_ =	swait.ge [sflag:s31], $0x4000  }
0x3b: {  	[sflag:s31] =	ssyncset.done $0x0  }
0x3c: {  	s20 =	rddreg [dreg:$0x15];
	[sflag:s31] =	ssyncadd.s32 $0xFFFFC000  }
0x3d: {  	[spmem:s20] =	stream.linear.scatter [tilespmem:s30], [sflag:$0x7], $0x4000, $0x38;
	[tilespmem:$0x1C400] =	vst v63  }
0x3e: {  	_ =	swait.ge [sflag:s31], $0x4000  }
0x3f: {  	[sflag:s31] =	ssyncset.done $0x0  }
0x40: {  	s21 =	rddreg [dreg:$0x16];
	[sflag:s31] =	ssyncadd.s32 $0xFFFFC000  }
0x41: {  	[tilespmem:s30], [sflag:$0x7] =	stream.linear.gather [hbm4b:s21+s3], $0x4000, $0x38;
	[tilespmem:$0x1C400] =	vst v63  }
0x42: {  	_ =	swait.ge [sflag:s31], $0x4000  }
0x43: {  	[sflag:s31] =	ssyncset.done $0x0  }
0x44: {  	s22 =	rddreg [dreg:$0x17];
	[sflag:s31] =	ssyncadd.s32 $0xFFFFC000  }
0x45: {  	[spmem:s22] =	stream.linear.scatter [tilespmem:s30], [sflag:$0x7], $0x4000, $0x38;
	[tilespmem:$0x1C400] =	vst v63  }
0x46: {  	_ =	swait.ge [sflag:s31], $0x4000  }
0x47: {  	[sflag:s31] =	ssyncset.done $0x0  }
0x48: {  	s23 =	rddreg [dreg:$0x18];
	[sflag:s31] =	ssyncadd.s32 $0xFFFFC000  }
0x49: {  	[tilespmem:s30], [sflag:$0x7] =	stream.linear.gather [hbm4b:s23+s3], $0x4000, $0x38;
	[tilespmem:$0x1C400] =	vst v63  }
0x4a: {  	_ =	swait.ge [sflag:s31], $0x4000  }
0x4b: {  	[sflag:s31] =	ssyncset.done $0x0  }
0x4c: {  	s17 =	rddreg [dreg:$0x19];
	[sflag:s31] =	ssyncadd.s32 $0xFFFFC000  }
0x4d: {  	[spmem:s17] =	stream.linear.scatter [tilespmem:s30], [sflag:$0x7], $0x4000, $0x38;
	[tilespmem:$0x1C400] =	vst v63  }
0x4e: {  	_ =	swait.ge [sflag:s31], $0x4000  }
0x4f: {  	[sflag:s31] =	ssyncset.done $0x0  }
0x50: {  	s18 =	rddreg [dreg:$0x1a];
	[sflag:s31] =	ssyncadd.s32 $0xFFFFC000  }
0x51: {  	[tilespmem:s30], [sflag:$0x7] =	stream.linear.gather [hbm4b:s18+s3], $0x4000, $0x38;
	[tilespmem:$0x1C400] =	vst v63  }
0x52: {  	_ =	swait.ge [sflag:s31], $0x4000  }
0x53: {  	[sflag:s31] =	ssyncset.done $0x0  }
0x54: {  	[sflag:s31] =	ssyncadd.s32 $0xFFFFC000  }
0x55: {  	[spmem:s24] =	stream.linear.scatter [tilespmem:s30], [sflag:$0x7], $0x4000, $0x38;
	[tilespmem:$0x1C400] =	vst v63  }
0x56: {  	_ =	swait.ge [sflag:s31], $0x4000  }
0x57: {  	[sflag:s31] =	ssyncset.done $0x0  }
0x58: {  	[sflag:s31] =	ssyncadd.s32 $0xFFFFC000  }
0x59: {  	[bflag:$0x0] =	sbarrier.arrive $0xFFFF  }
0x5a: {  	s19 =	rddreg [dreg:$0x8]  }
0x5b: {  	[tilespmem:s3], [sflag:$0x3] =	stream.linear.gather [hbm4b:s19+s3], $0x100, $0x38;
	[tilespmem:$0x1C400] =	vst v63  }
0x5c: {  	s20 =	rddreg [dreg:$0x9]  }
0x5d: {  	[tilespmem:s0], [sflag:$0x4] =	stream.linear.gather [hbm4b:s20+s3], $0x100, $0x38;
	[tilespmem:$0x1C400] =	vst v63  }
0x5e: {  	s21 =	rddreg [dreg:$0xa]  }
0x5f: {  	[tilespmem:s2], [sflag:$0x5] =	stream.linear.gather [hbm4b:s21+s3], $0x100, $0x38;
	[tilespmem:$0x1C400] =	vst v63  }
0x60: {  	p0 =	por $0x1, $0x1;
	_ =	swait.ge [sflag:s5], $0x100  }
0x61: {  	p0 =	por p0, p0;
	[sflag:s5] =	ssyncset.done $0x0  }
0x62: {  	s16 =	simm.s32 @!p0 $0x2;
	[sflag:s5] =	ssyncadd.s32 $0xFFFFFF00  }
0x63: {  	[tilespmem:s30], [sflag:$0x1] =	stream.indirect.gather [hbm4b:s4+s6], $0x80, s3, s6, $0xb8;
	[tilespmem:$0x1C400] =	vst v63  }
0x64: {  	_ =	swait.ge @!p0 [sflag:s16], $0x4000  }
0x65: {  	[sflag:s16] =	ssyncset.done @!p0 $0x0  }
0x66: {  	[sflag:s16] =	ssyncadd.s32 @!p0 $0xFFFFC000  }
0x67: {  	_ =	swait.ge [sflag:s7], $0x100  }
0x68: {  	[sflag:s7] =	ssyncset.done $0x0  }
0x69: {  	s22 =	rddreg [dreg:$0x6];
	[sflag:s7] =	ssyncadd.s32 $0xFFFFFF00  }
0x6a: {  	[tilespmem:s8], [sflag:$0x2] =	stream.indirect.gather [hbm4b:s4+s6], $0x80, s0, s6, $0xb8;
	[tilespmem:$0x1C400] =	vst v63  }
0x6b: {  	s16 =	sadd.s32 $0x0, s22  }
0x6c: {  	[tilespmem:s9], [sflag:$0x6] =	stream.linear.gather [hbm4b:s16+s3], $0x100, $0x38;
	[tilespmem:$0x1C400] =	vst v63  }
0x6d: {  	_ =	swait.ge [sflag:s10], $0x4000  }
0x6e: {  	[sflag:s10] =	ssyncset.done $0x0  }
0x6f: {  	[sflag:s10] =	ssyncadd.s32 $0xFFFFC000  }
0x70: {  	[spmem:s1] =	stream.indirect.scatter.add.f32 [tilespmem:s30], [sflag:$0x1], $0x80, s6, s6, $0xb8;
	[tilespmem:$0x1C400] =	vst v63  }
0x71: {  	_ =	swait.ge [sflag:s10], $0x4000  }
0x72: {  	[sflag:s10] =	ssyncset.done $0x0  }
0x73: {  	[sflag:s10] =	ssyncadd.s32 $0xFFFFC000  }
0x74: {  	_ =	swait.ge [sflag:s11], $0x100  }
0x75: {  	[sflag:s11] =	ssyncset.done $0x0  }
0x76: {  	p0 =	por $0x0, $0x0;
	s16 =	rddreg [dreg:$0x5];
	[sflag:s11] =	ssyncadd.s32 $0xFFFFFF00  }
0x77: {  	[tilespmem:s30], [sflag:$0x1] =	stream.indirect.gather [hbm4b:s4+s6], $0x80, s2, s6, $0xb8;
	[tilespmem:$0x1C400] =	vst v63  }
0x78: {  	s17 =	simm.s32 @!p0 $0x0;
	s16 =	sadd.s32 @!p0 $0x0, s16  }
0x79: {  	[tilespmem:s17], [sflag:$0x3] =	stream.linear.gather @!p0 [hbm4b:s16+s17], $0x100, $0x38;
	[tilespmem:$0x1C400] =	vst v63  }
0x7a: {  	_ =	swait.ge [sflag:s12], $0x4000  }
0x7b: {  	[sflag:s12] =	ssyncset.done $0x0  }
0x7c: {  	s23 =	rddreg [dreg:$0x7];
	[sflag:s12] =	ssyncadd.s32 $0xFFFFC000  }
0x7d: {  	[spmem:s1] =	stream.indirect.scatter.add.f32 [tilespmem:s8], [sflag:$0x2], $0x80, s23, s6, $0xb8;
	[tilespmem:$0x1C400] =	vst v63  }
0x7e: {  	_ =	swait.ge [sflag:s12], $0x4000  }
0x7f: {  	[sflag:s12] =	ssyncset.done $0x0  }
0x80: {  	[sflag:s12] =	ssyncadd.s32 $0xFFFFC000  }
0x81: {  	_ =	swait.ge [sflag:s13], $0x100  }
0x82: {  	[sflag:s13] =	ssyncset.done $0x0  }
0x83: {  	s16 =	simm.s32 @p0 $0x1;
	[sflag:s13] =	ssyncadd.s32 $0xFFFFFF00  }
0x84: {  	[tilespmem:s8], [sflag:$0x2] =	stream.indirect.gather [hbm4b:s4+s6], $0x80, s9, s6, $0xb8;
	[tilespmem:$0x1C400] =	vst v63  }
0x85: {  	_ =	swait.ge @p0 [sflag:s16], $0x4000  }
0x86: {  	s18 =	simm.s32 @p0 $0x400;
	[sflag:s16] =	ssyncset.done @p0 $0x0  }
0x87: {  	s19 =	simm.s32 @p0 $0x80;
	s20 =	simm.s32 @p0 $0x280;
	[sflag:s16] =	ssyncadd.s32 @p0 $0xFFFFC000  }
0x88: {  	[spmem:s1] =	stream.indirect.scatter.add.f32 @p0 [tilespmem:s18], [sflag:$0x1], $0x80, s20, s19, $0xb8;
	[tilespmem:$0x1C400] =	vst v63  }
0x89: {  	_ =	swait.ge @p0 [sflag:s16], $0x4000  }
0x8a: {  	s19 =	simm.s32 @!p0 $0x1;
	s18 =	rddreg [dreg:$0x4];
	[sflag:s16] =	ssyncset.done @p0 $0x0  }
0x8b: {  	[sflag:s16] =	ssyncadd.s32 @p0 $0xFFFFC000;
	s16 =	sadd.s32 @!p0 $0x0, s18;
	s18 =	simm.s32 @!p0 $0x100  }
0x8c: {  	[tilespmem:s18], [sflag:$0x4] =	stream.linear.gather @!p0 [hbm4b:s16+s17], $0x100, $0x38;
	[tilespmem:$0x1C400] =	vst v63  }
0x8d: {  	_ =	swait.ge @!p0 [sflag:s19], $0x4000  }
0x8e: {  	s20 =	simm.s32 @!p0 $0x280;
	[sflag:s19] =	ssyncset.done @!p0 $0x0  }
0x8f: {  	s16 =	simm.s32 @!p0 $0x400;
	s18 =	simm.s32 @!p0 $0x80;
	[sflag:s19] =	ssyncadd.s32 @!p0 $0xFFFFC000  }
0x90: {  	[spmem:s1] =	stream.indirect.scatter.add.f32 @!p0 [tilespmem:s16], [sflag:$0x1], $0x80, s20, s18, $0xb8;
	[tilespmem:$0x1C400] =	vst v63  }
0x91: {  	_ =	swait.ge @!p0 [sflag:s19], $0x4000  }
0x92: {  	[sflag:s19] =	ssyncset.done @!p0 $0x0  }
0x93: {  	[sflag:s19] =	ssyncadd.s32 @!p0 $0xFFFFC000;
	s19 =	simm.s32 @!p0 $0x3  }
0x94: {  	_ =	swait.ge @!p0 [sflag:s19], $0x100  }
0x95: {  	[sflag:s19] =	ssyncset.done @!p0 $0x0  }
0x96: {  	s20 =	rddreg [dreg:$0x3];
	[sflag:s19] =	ssyncadd.s32 @!p0 $0xFFFFFF00  }
0x97: {  	[tilespmem:s16], [sflag:$0x1] =	stream.indirect.gather @!p0 [hbm4b:s4+s18], $0x80, s17, s18, $0xb8;
	[tilespmem:$0x1C400] =	vst v63  }
0x98: {  	s16 =	sadd.s32 @!p0 $0x0, s20;
	s18 =	simm.s32 @!p0 $0x200  }
0x99: {  	[tilespmem:s18], [sflag:$0x5] =	stream.linear.gather @!p0 [hbm4b:s16+s17], $0x100, $0x38;
	[tilespmem:$0x1C400] =	vst v63  }
0x9a: {  	_ =	swait.ge [sflag:s12], $0x4000  }
0x9b: {  	p6 =	por $0x0, $0x0;
	s16 =	simm.s32 $0x80;
	[sflag:s12] =	ssyncset.done $0x0  }
0x9c: {  	s17 =	simm.s32 $0x100;
	p0 =	por p6, p6;
	[sflag:s12] =	ssyncadd.s32 $0xFFFFC000  }
.LBB2_2:
0x9d: {  	[spmem:s1] =	stream.indirect.scatter.add.f32 [tilespmem:s8], [sflag:$0x2], $0x80, s14, s6, $0xb8;
	[tilespmem:$0x1C400] =	vst v63  }
0x9e: {  	s19 =	simm.s32 @!p0 $0x2  }
0x9f: {  	_ =	swait.ge @!p0 [sflag:s19], $0x4000  }
0xa0: {  	[sflag:s19] =	ssyncset.done @!p0 $0x0  }
0xa1: {  	[sflag:s19] =	ssyncadd.s32 @!p0 $0xFFFFC000  }
0xa2: {  	_ =	swait.ge [sflag:s7], $0x100  }
0xa3: {  	[sflag:s7] =	ssyncset.done $0x0  }
0xa4: {  	s22 =	rddreg [dreg:$0x6];
	[sflag:s7] =	ssyncadd.s32 $0xFFFFFF00  }
0xa5: {  	[tilespmem:s8], [sflag:$0x2] =	stream.indirect.gather [hbm4b:s4+s6], $0x80, s0, s6, $0xb8;
	[tilespmem:$0x1C400] =	vst v63  }
0xa6: {  	s19 =	sadd.s32 s16, s22  }
0xa7: {  	[tilespmem:s9], [sflag:$0x6] =	stream.linear.gather [hbm4b:s19+s3], $0x100, $0x38;
	[tilespmem:$0x1C400] =	vst v63  }
0xa8: {  	_ =	swait.ge [sflag:s10], $0x4000  }
0xa9: {  	[sflag:s10] =	ssyncset.done $0x0  }
0xaa: {  	[sflag:s10] =	ssyncadd.s32 $0xFFFFC000  }
0xab: {  	[spmem:s1] =	stream.indirect.scatter.add.f32 [tilespmem:s30], [sflag:$0x1], $0x80, s6, s6, $0xb8;
	[tilespmem:$0x1C400] =	vst v63  }
0xac: {  	_ =	swait.ge [sflag:s10], $0x4000  }
0xad: {  	[sflag:s10] =	ssyncset.done $0x0  }
0xae: {  	s18 =	smov.u32 s17;
	[sflag:s10] =	ssyncadd.s32 $0xFFFFC000  }
0xaf: {  	p2 =	seq.s32 s18, $0x0;
	_ =	swait.ge [sflag:s11], $0x100  }
0xb0: {  	p0 =	por p2, p2;
	[sflag:s11] =	ssyncset.done $0x0  }
0xb1: {  	p2 =	seq.s32 s16, $0x1380;
	s19 =	rddreg [dreg:$0x5];
	[sflag:s11] =	ssyncadd.s32 $0xFFFFFF00  }
0xb2: {  	[tilespmem:s30], [sflag:$0x1] =	stream.indirect.gather [hbm4b:s4+s6], $0x80, s2, s6, $0xb8;
	[tilespmem:$0x1C400] =	vst v63  }
0xb3: {  	s20 =	sadd.s32 @!p2 s16, s19;
	s19 =	simm.s32 @!p2 $0x0  }
0xb4: {  	[tilespmem:s19], [sflag:$0x3] =	stream.linear.gather @!p2 [hbm4b:s20+s19], $0x100, $0x38;
	[tilespmem:$0x1C400] =	vst v63  }
0xb5: {  	_ =	swait.ge [sflag:s12], $0x4000  }
0xb6: {  	[sflag:s12] =	ssyncset.done $0x0  }
0xb7: {  	s23 =	rddreg [dreg:$0x7];
	[sflag:s12] =	ssyncadd.s32 $0xFFFFC000  }
0xb8: {  	[spmem:s1] =	stream.indirect.scatter.add.f32 [tilespmem:s8], [sflag:$0x2], $0x80, s23, s6, $0xb8;
	[tilespmem:$0x1C400] =	vst v63  }
0xb9: {  	_ =	swait.ge [sflag:s12], $0x4000  }
0xba: {  	[sflag:s12] =	ssyncset.done $0x0  }
0xbb: {  	[sflag:s12] =	ssyncadd.s32 $0xFFFFC000  }
0xbc: {  	_ =	swait.ge [sflag:s13], $0x100  }
0xbd: {  	[sflag:s13] =	ssyncset.done $0x0  }
0xbe: {  	s20 =	simm.s32 @p2 $0x1;
	[sflag:s13] =	ssyncadd.s32 $0xFFFFFF00  }
0xbf: {  	[tilespmem:s8], [sflag:$0x2] =	stream.indirect.gather [hbm4b:s4+s6], $0x80, s9, s6, $0xb8;
	[tilespmem:$0x1C400] =	vst v63  }
0xc0: {  	_ =	swait.ge @p2 [sflag:s20], $0x4000  }
0xc1: {  	s21 =	simm.s32 @p2 $0x400;
	[sflag:s20] =	ssyncset.done @p2 $0x0  }
0xc2: {  	s22 =	simm.s32 @p2 $0x80;
	s23 =	simm.s32 @p2 $0x280;
	[sflag:s20] =	ssyncadd.s32 @p2 $0xFFFFC000  }
0xc3: {  	[spmem:s1] =	stream.indirect.scatter.add.f32 @p2 [tilespmem:s21], [sflag:$0x1], $0x80, s23, s22, $0xb8;
	[tilespmem:$0x1C400] =	vst v63  }
0xc4: {  	_ =	swait.ge @p2 [sflag:s20], $0x4000  }
0xc5: {  	s22 =	simm.s32 @!p2 $0x1;
	s21 =	rddreg [dreg:$0x4];
	[sflag:s20] =	ssyncset.done @p2 $0x0  }
0xc6: {  	[sflag:s20] =	ssyncadd.s32 @p2 $0xFFFFC000;
	s20 =	sadd.s32 @!p2 s16, s21;
	s21 =	simm.s32 @!p2 $0x100  }
0xc7: {  	[tilespmem:s21], [sflag:$0x4] =	stream.linear.gather @!p2 [hbm4b:s20+s19], $0x100, $0x38;
	[tilespmem:$0x1C400] =	vst v63  }
0xc8: {  	_ =	swait.ge @!p2 [sflag:s22], $0x4000  }
0xc9: {  	s23 =	simm.s32 @!p2 $0x280;
	[sflag:s22] =	ssyncset.done @!p2 $0x0  }
0xca: {  	s20 =	simm.s32 @!p2 $0x400;
	s21 =	simm.s32 @!p2 $0x80;
	[sflag:s22] =	ssyncadd.s32 @!p2 $0xFFFFC000  }
0xcb: {  	[spmem:s1] =	stream.indirect.scatter.add.f32 @!p2 [tilespmem:s20], [sflag:$0x1], $0x80, s23, s21, $0xb8;
	[tilespmem:$0x1C400] =	vst v63  }
0xcc: {  	_ =	swait.ge @!p2 [sflag:s22], $0x4000  }
0xcd: {  	[sflag:s22] =	ssyncset.done @!p2 $0x0  }
0xce: {  	[sflag:s22] =	ssyncadd.s32 @!p2 $0xFFFFC000;
	s22 =	simm.s32 @!p2 $0x3  }
0xcf: {  	_ =	swait.ge @!p2 [sflag:s22], $0x100  }
0xd0: {  	s17 =	sadd.s32 $0x80, s17;
	[sflag:s22] =	ssyncset.done @!p2 $0x0  }
0xd1: {  	p1 =	sne.s32 s17, $0x1400;
	s23 =	rddreg [dreg:$0x3];
	[sflag:s22] =	ssyncadd.s32 @!p2 $0xFFFFFF00  }
0xd2: {  	[tilespmem:s20], [sflag:$0x1] =	stream.indirect.gather @!p2 [hbm4b:s4+s21], $0x80, s19, s21, $0xb8;
	[tilespmem:$0x1C400] =	vst v63  }
.Ltmp0:
0xd3: {  	s16 =	sadd.s32 @!p2 s16, s23;
	s20 =	simm.s32 @!p2 $0x200;
	(pc) =	sbr.rel @p1 .LBB2_2-.Ltmp0, $4  }
0xd4: {  	[tilespmem:s20], [sflag:$0x5] =	stream.linear.gather @!p2 [hbm4b:s16+s19], $0x100, $0x38;
	[tilespmem:$0x1C400] =	vst v63  }
0xd5: {  	_ =	swait.ge [sflag:s12], $0x4000  }
0xd6: {  	[sflag:s12] =	ssyncset.done $0x0  }
0xd7: {  	s16 =	smov.u32 s18;
	[sflag:s12] =	ssyncadd.s32 $0xFFFFC000  }
0xd8: {  	[spmem:s1] =	stream.indirect.scatter.add.f32 [tilespmem:s8], [sflag:$0x2], $0x80, s14, s6, $0xb8;
	[tilespmem:$0x1C400] =	vst v63  }
0xd9: {  	s17 =	simm.s32 @!p0 $0x2  }
0xda: {  	_ =	swait.ge @!p0 [sflag:s17], $0x4000  }
0xdb: {  	[sflag:s17] =	ssyncset.done @!p0 $0x0  }
0xdc: {  	[sflag:s17] =	ssyncadd.s32 @!p0 $0xFFFFC000  }
0xdd: {  	_ =	swait.ge [sflag:s7], $0x100  }
0xde: {  	[sflag:s7] =	ssyncset.done $0x0  }
0xdf: {  	s22 =	rddreg [dreg:$0x6];
	[sflag:s7] =	ssyncadd.s32 $0xFFFFFF00  }
0xe0: {  	[tilespmem:s8], [sflag:$0x2] =	stream.indirect.gather [hbm4b:s4+s6], $0x80, s0, s6, $0xb8;
	[tilespmem:$0x1C400] =	vst v63  }
0xe1: {  	s17 =	sadd.s32 s16, s22  }
0xe2: {  	[tilespmem:s9], [sflag:$0x6] =	stream.linear.gather [hbm4b:s17+s3], $0x100, $0x38;
	[tilespmem:$0x1C400] =	vst v63  }
0xe3: {  	_ =	swait.ge [sflag:s10], $0x4000  }
0xe4: {  	[sflag:s10] =	ssyncset.done $0x0  }
0xe5: {  	[sflag:s10] =	ssyncadd.s32 $0xFFFFC000  }
0xe6: {  	[spmem:s1] =	stream.indirect.scatter.add.f32 [tilespmem:s30], [sflag:$0x1], $0x80, s6, s6, $0xb8;
	[tilespmem:$0x1C400] =	vst v63  }
0xe7: {  	_ =	swait.ge [sflag:s10], $0x4000  }
0xe8: {  	[sflag:s10] =	ssyncset.done $0x0  }
0xe9: {  	[sflag:s10] =	ssyncadd.s32 $0xFFFFC000  }
0xea: {  	_ =	swait.ge [sflag:s11], $0x100  }
0xeb: {  	[sflag:s11] =	ssyncset.done $0x0  }
0xec: {  	p0 =	seq.s32 s16, $0x1380;
	s17 =	rddreg [dreg:$0x5];
	[sflag:s11] =	ssyncadd.s32 $0xFFFFFF00  }
0xed: {  	[tilespmem:s30], [sflag:$0x1] =	stream.indirect.gather [hbm4b:s4+s6], $0x80, s2, s6, $0xb8;
	[tilespmem:$0x1C400] =	vst v63  }
0xee: {  	s18 =	simm.s32 @!p0 $0x0;
	s17 =	sadd.s32 @!p0 s16, s17  }
0xef: {  	[tilespmem:s18], [sflag:$0x3] =	stream.linear.gather @!p0 [hbm4b:s17+s18], $0x100, $0x38;
	[tilespmem:$0x1C400] =	vst v63  }
0xf0: {  	_ =	swait.ge [sflag:s12], $0x4000  }
0xf1: {  	[sflag:s12] =	ssyncset.done $0x0  }
0xf2: {  	s23 =	rddreg [dreg:$0x7];
	[sflag:s12] =	ssyncadd.s32 $0xFFFFC000  }
0xf3: {  	[spmem:s1] =	stream.indirect.scatter.add.f32 [tilespmem:s8], [sflag:$0x2], $0x80, s23, s6, $0xb8;
	[tilespmem:$0x1C400] =	vst v63  }
0xf4: {  	_ =	swait.ge [sflag:s12], $0x4000  }
0xf5: {  	[sflag:s12] =	ssyncset.done $0x0  }
0xf6: {  	[sflag:s12] =	ssyncadd.s32 $0xFFFFC000  }
0xf7: {  	_ =	swait.ge [sflag:s13], $0x100  }
0xf8: {  	[sflag:s13] =	ssyncset.done $0x0  }
0xf9: {  	s17 =	simm.s32 @p0 $0x1;
	[sflag:s13] =	ssyncadd.s32 $0xFFFFFF00  }
0xfa: {  	[tilespmem:s8], [sflag:$0x2] =	stream.indirect.gather [hbm4b:s4+s6], $0x80, s9, s6, $0xb8;
	[tilespmem:$0x1C400] =	vst v63  }
0xfb: {  	_ =	swait.ge @p0 [sflag:s17], $0x4000  }
0xfc: {  	s19 =	simm.s32 @p0 $0x400;
	[sflag:s17] =	ssyncset.done @p0 $0x0  }
0xfd: {  	s20 =	simm.s32 @p0 $0x80;
	s21 =	simm.s32 @p0 $0x280;
	[sflag:s17] =	ssyncadd.s32 @p0 $0xFFFFC000  }
0xfe: {  	[spmem:s1] =	stream.indirect.scatter.add.f32 @p0 [tilespmem:s19], [sflag:$0x1], $0x80, s21, s20, $0xb8;
	[tilespmem:$0x1C400] =	vst v63  }
0xff: {  	_ =	swait.ge @p0 [sflag:s17], $0x4000  }
0x100: {  	s20 =	simm.s32 @!p0 $0x1;
	s19 =	rddreg [dreg:$0x4];
	[sflag:s17] =	ssyncset.done @p0 $0x0  }
0x101: {  	[sflag:s17] =	ssyncadd.s32 @p0 $0xFFFFC000;
	s17 =	sadd.s32 @!p0 s16, s19;
	s19 =	simm.s32 @!p0 $0x100  }
0x102: {  	[tilespmem:s19], [sflag:$0x4] =	stream.linear.gather @!p0 [hbm4b:s17+s18], $0x100, $0x38;
	[tilespmem:$0x1C400] =	vst v63  }
0x103: {  	_ =	swait.ge @!p0 [sflag:s20], $0x4000  }
0x104: {  	s21 =	simm.s32 @!p0 $0x280;
	[sflag:s20] =	ssyncset.done @!p0 $0x0  }
0x105: {  	s17 =	simm.s32 @!p0 $0x400;
	s19 =	simm.s32 @!p0 $0x80;
	[sflag:s20] =	ssyncadd.s32 @!p0 $0xFFFFC000  }
0x106: {  	[spmem:s1] =	stream.indirect.scatter.add.f32 @!p0 [tilespmem:s17], [sflag:$0x1], $0x80, s21, s19, $0xb8;
	[tilespmem:$0x1C400] =	vst v63  }
0x107: {  	_ =	swait.ge @!p0 [sflag:s20], $0x4000  }
0x108: {  	[sflag:s20] =	ssyncset.done @!p0 $0x0  }
0x109: {  	[sflag:s20] =	ssyncadd.s32 @!p0 $0xFFFFC000;
	s20 =	simm.s32 @!p0 $0x3  }
0x10a: {  	_ =	swait.ge @!p0 [sflag:s20], $0x100  }
0x10b: {  	[sflag:s20] =	ssyncset.done @!p0 $0x0  }
0x10c: {  	s21 =	rddreg [dreg:$0x3];
	[sflag:s20] =	ssyncadd.s32 @!p0 $0xFFFFFF00  }
0x10d: {  	[tilespmem:s17], [sflag:$0x1] =	stream.indirect.gather @!p0 [hbm4b:s4+s19], $0x80, s18, s19, $0xb8;
	[tilespmem:$0x1C400] =	vst v63  }
0x10e: {  	s16 =	sadd.s32 @!p0 s16, s21;
	s17 =	simm.s32 @!p0 $0x200  }
0x10f: {  	[tilespmem:s17], [sflag:$0x5] =	stream.linear.gather @!p0 [hbm4b:s16+s18], $0x100, $0x38;
	[tilespmem:$0x1C400] =	vst v63  }
0x110: {  	_ =	swait.ge [sflag:s12], $0x4000  }
0x111: {  	[sflag:s12] =	ssyncset.done $0x0  }
0x112: {  	[sflag:s12] =	ssyncadd.s32 $0xFFFFC000  }
0x113: {  	[spmem:s1] =	stream.indirect.scatter.add.f32 [tilespmem:s8], [sflag:$0x2], $0x80, s14, s6, $0xb8;
	[tilespmem:$0x1C400] =	vst v63  }
0x114: {  	_ =	swait.ge [sflag:s12], $0x4000  }
0x115: {  	[sflag:s12] =	ssyncset.done $0x0  }
0x116: {  	[sflag:s12] =	ssyncadd.s32 $0xFFFFC000  }
0x117: {  	[bflag:$0x0] =	sbarrier.arrive $0xFFFF  }
0x118: {  	s17 =	rddreg [dreg:$0xb]  }
0x119: {  	[tilespmem:s30], [sflag:$0x7] =	stream.linear.gather [spmem:s17], $0x4000, $0x38;
	[tilespmem:$0x1C400] =	vst v63  }
0x11a: {  	_ =	swait.ge [sflag:s31], $0x4000  }
0x11b: {  	[sflag:s31] =	ssyncset.done $0x0  }
0x11c: {  	s18 =	rddreg [dreg:$0xd];
	[sflag:s31] =	ssyncadd.s32 $0xFFFFC000  }
0x11d: {  	[hbm4b:s18+s3] =	stream.linear.scatter [tilespmem:s30], [sflag:$0x7], $0x4000, $0x38;
	[tilespmem:$0x1C400] =	vst v63  }
0x11e: {  	_ =	swait.ge [sflag:s31], $0x4000  }
0x11f: {  	[sflag:s31] =	ssyncset.done $0x0  }
0x120: {  	[sflag:s31] =	ssyncadd.s32 $0xFFFFC000  }
0x121: {  	[tilespmem:s30], [sflag:$0x7] =	stream.linear.gather [spmem:s25], $0x4000, $0x38;
	[tilespmem:$0x1C400] =	vst v63  }
0x122: {  	_ =	swait.ge [sflag:s31], $0x4000  }
0x123: {  	[sflag:s31] =	ssyncset.done $0x0  }
0x124: {  	s19 =	rddreg [dreg:$0xe];
	[sflag:s31] =	ssyncadd.s32 $0xFFFFC000  }
0x125: {  	[hbm4b:s19+s3] =	stream.linear.scatter [tilespmem:s30], [sflag:$0x7], $0x4000, $0x38;
	[tilespmem:$0x1C400] =	vst v63  }
0x126: {  	_ =	swait.ge [sflag:s31], $0x4000  }
0x127: {  	[sflag:s31] =	ssyncset.done $0x0  }
0x128: {  	[sflag:s31] =	ssyncadd.s32 $0xFFFFC000  }
0x129: {  	[tilespmem:s30], [sflag:$0x7] =	stream.linear.gather [spmem:s26], $0x4000, $0x38;
	[tilespmem:$0x1C400] =	vst v63  }
0x12a: {  	_ =	swait.ge [sflag:s31], $0x4000  }
0x12b: {  	[sflag:s31] =	ssyncset.done $0x0  }
0x12c: {  	s20 =	rddreg [dreg:$0xf];
	[sflag:s31] =	ssyncadd.s32 $0xFFFFC000  }
0x12d: {  	[hbm4b:s20+s3] =	stream.linear.scatter [tilespmem:s30], [sflag:$0x7], $0x4000, $0x38;
	[tilespmem:$0x1C400] =	vst v63  }
0x12e: {  	_ =	swait.ge [sflag:s31], $0x4000  }
0x12f: {  	[sflag:s31] =	ssyncset.done $0x0  }
0x130: {  	[sflag:s31] =	ssyncadd.s32 $0xFFFFC000  }
0x131: {  	[tilespmem:s30], [sflag:$0x7] =	stream.linear.gather [spmem:s28], $0x4000, $0x38;
	[tilespmem:$0x1C400] =	vst v63  }
0x132: {  	_ =	swait.ge [sflag:s31], $0x4000  }
0x133: {  	[sflag:s31] =	ssyncset.done $0x0  }
0x134: {  	s21 =	rddreg [dreg:$0x10];
	[sflag:s31] =	ssyncadd.s32 $0xFFFFC000  }
0x135: {  	[hbm4b:s21+s3] =	stream.linear.scatter [tilespmem:s30], [sflag:$0x7], $0x4000, $0x38;
	[tilespmem:$0x1C400] =	vst v63  }
0x136: {  	_ =	swait.ge [sflag:s31], $0x4000  }
0x137: {  	[sflag:s31] =	ssyncset.done $0x0  }
0x138: {  	[sflag:s31] =	ssyncadd.s32 $0xFFFFC000  }
0x139: {  	[tilespmem:s30], [sflag:$0x7] =	stream.linear.gather [spmem:s29], $0x4000, $0x38;
	[tilespmem:$0x1C400] =	vst v63  }
0x13a: {  	_ =	swait.ge [sflag:s31], $0x4000  }
0x13b: {  	[sflag:s31] =	ssyncset.done $0x0  }
0x13c: {  	s22 =	rddreg [dreg:$0x11];
	[sflag:s31] =	ssyncadd.s32 $0xFFFFC000  }
0x13d: {  	[hbm4b:s22+s3] =	stream.linear.scatter [tilespmem:s30], [sflag:$0x7], $0x4000, $0x38;
	[tilespmem:$0x1C400] =	vst v63  }
0x13e: {  	_ =	swait.ge [sflag:s31], $0x4000  }
0x13f: {  	s15 =	sadd.s32 $0x1, s15;
	s23 =	rddreg [dreg:$0xc]  }
0x140: {  	p0 =	sne.s32 s15, s23  }
.Ltmp1:
0x141: {  	_ = 	snop;
	(pc) =	sbr.rel @p0 .LBB2_1-.Ltmp1, $3  }
0x142: {  	_ =	sdelay $0x1  }
0x143: {  	[sflag:s31] =	ssyncset.done $0x0  }
0x144: {  	[sflag:s31] =	ssyncadd.s32 $0xFFFFC000  }
0x145: {  	_ =	sfence.sel $0x180000  }
0x146: {  	[bflag:$0x0] =	sbarrier.arrive $0xFFFF  }
0x147: {  	_ =	strace $0x9000004A  }
0x148: {  	s0 =	stileid.u32;
	[bflag:$0x2] =	sbarrier.arrive $0xFFFF  }
0x149: {  	p0 =	sne.s32 s0, $0x0;
	s0 =	rddreg [dreg:$0x2]  }
0x14a: {  	s0 =	sadd.s32 @!p0 $0x100000, s0  }
0x14b: {  	[sflag:s0] =	ssyncadd.tile.s32 @!p0 $0x1;
	_ =	shalt  }
.Lfunc_end2:
_tile_overlayer_lowered:
.L_overlay_start_2:
0x14c: {  	(tag) =	ssettag $0x2  }
0x14d: {  	s0 =	rddreg [dreg:$0x0];
	s2 =	stileid.u32  }
0x14e: {  	s1 =	rddreg [dreg:$0x1];
	p0 =	sne.s32 s2, $0x0  }
0x14f: {  	s3 =	rddreg [dreg:$0x2];
	[bflag:$0x3] =	sbarrier.arrive $0xFFFF;
	s2 =	simm.s32 @!p0 $0x1C07  }
0x150: {  	[timem:s3], [sflag:s2] =	dma.local @!p0 [hbm:s0], s1  }
0x151: {  	s0 =	simm.s32 @!p0 $0x7  }
0x152: {  	_ =	swait.ge @!p0 [sflag:s0], s1  }
0x153: {  	s1 =	ssub.s32 @!p0 $0x0, s1;
	[sflag:s0] =	ssyncset.done @!p0 $0x0  }
0x154: {  	[sflag:s0] =	ssyncadd.s32 @!p0 s1  }
0x155: {  	[bflag:$0x3] =	sbarrier.arrive $0xFFFF  }
0x156: {  	_ =	shalt  }

</sc_bundles>
